<compile_context>
chip_gen: v7x
topology: tpu7x:2x2x1
jax: 0.10.2.dev20260603
libtpu: 0.0.44.dev20260713+nightly
codegen_flags: <defaults>
</compile_context>

<pallas_src>
import jax
import jax.numpy as jnp
from jax import lax
from jax.experimental import pallas as pl
from jax.experimental.pallas import tpu as pltpu
from jax.experimental.pallas import tpu_sc as plsc

N = 10000
E = 320000
D = 128
B = 64

NC, NS = 2, 16
NW = NC * NS
CH = 128
CPT = 80
E_PAD = NW * CPT * CH
N_PAD = 10240
PAD_ROW = N_PAD - 1
RPT = N_PAD // NS
RB = 1024
GN = N_PAD // RB

_mesh = plsc.VectorSubcoreMesh(
    core_axis_name="c", subcore_axis_name="s", num_cores=NC, num_subcores=NS)
_sc_params = pltpu.CompilerParams(needs_layout_passes=False)


def _deg_body(dst_hbm, out_hbm, dst_v, deg_v):
    c = lax.axis_index("c")
    s = lax.axis_index("s")
    wid = s * NC + c
    pltpu.sync_copy(dst_hbm.at[wid], dst_v)

    def zero(i, carry):
        deg_v[pl.ds(i * 16, 16)] = jnp.zeros((16,), jnp.float32)
        return carry
    lax.fori_loop(0, N_PAD // 16, zero, 0)

    ones16 = jnp.ones((16,), jnp.float32)

    def edge(i, carry):
        idx = dst_v[i]
        plsc.addupdate_scatter(deg_v, [idx], ones16)
        return carry
    lax.fori_loop(0, (CPT * CH) // 16, edge, 0)

    pltpu.sync_copy(deg_v, out_hbm.at[wid])


_deg_call = pl.kernel(
    _deg_body,
    out_type=jax.ShapeDtypeStruct((NW, N_PAD), jnp.float32),
    mesh=_mesh,
    scratch_types=[
        pltpu.VMEM((N_PAD // 16, 16), jnp.int32),
        pltpu.VMEM((N_PAD,), jnp.float32),
    ],
    compiler_params=_sc_params,
)


def _scale_body(x_ref, degp_ref, W_ref, q_ref, dinv_ref):
    deg = jnp.sum(degp_ref[...], axis=0) + 1.0
    dinv = lax.rsqrt(deg)
    dinv_ref[...] = dinv
    h = jnp.dot(x_ref[...], W_ref[...], preferred_element_type=jnp.float32)
    dT = jnp.transpose(dinv)
    for i in range(8):
        q_ref[i * 128:(i + 1) * 128, :] = (
            h[i * 128:(i + 1) * 128, :] * dT[:, i:i + 1])


_scale_call = pl.pallas_call(
    _scale_body,
    grid=(GN,),
    in_specs=[
        pl.BlockSpec((RB, D), lambda g: (g, 0)),
        pl.BlockSpec((NW, RB // 128, 128), lambda g: (0, g, 0)),
        pl.BlockSpec((D, D), lambda g: (0, 0)),
    ],
    out_specs=[
        pl.BlockSpec((RB, D), lambda g: (g, 0)),
        pl.BlockSpec((RB // 128, 128), lambda g: (g, 0)),
    ],
    out_shape=[
        jax.ShapeDtypeStruct((N_PAD, D), jnp.float32),
        jax.ShapeDtypeStruct((N_PAD // 128, 128), jnp.float32),
    ],
)


def _agg_body(y_hbm, src_hbm, dst_hbm, out_hbm, src_v, dst_v,
              rows, agg_s, sem):
    c = lax.axis_index("c")
    s = lax.axis_index("s")
    wid = s * NC + c
    pltpu.sync_copy(src_hbm.at[wid], src_v)
    pltpu.sync_copy(dst_hbm.at[wid], dst_v)

    def zero(i, carry):
        def lane(k, carry2):
            rows[i, pl.ds(k * 16, 16)] = jnp.zeros((16,), jnp.float32)
            return carry2
        lax.fori_loop(0, D // 16, lane, 0)
        return carry
    lax.fori_loop(0, CH, zero, 0)
    base = s * RPT
    for r in range(RPT // CH):
        pltpu.sync_copy(rows, agg_s.at[pl.ds(base + r * CH, CH)])
    plsc.subcore_barrier()

    def chunk(j, carry):
        pltpu.async_copy(y_hbm.at[src_v.at[j]], rows, sem).wait()
        pltpu.sync_copy(rows, agg_s.at[dst_v.at[j]], add=True)
        return carry
    lax.fori_loop(0, CPT, chunk, 0)

    plsc.subcore_barrier()
    for r in range(RPT // CH):
        pltpu.sync_copy(agg_s.at[pl.ds(base + r * CH, CH)],
                        out_hbm.at[c, pl.ds(base + r * CH, CH)])


_agg_call = pl.kernel(
    _agg_body,
    out_type=jax.ShapeDtypeStruct((NC, N_PAD, D), jnp.float32),
    mesh=_mesh,
    scratch_types=[
        pltpu.VMEM((CPT, CH), jnp.int32),
        pltpu.VMEM((CPT, CH), jnp.int32),
        pltpu.VMEM((CH, D), jnp.float32),
        pltpu.VMEM_SHARED((N_PAD, D), jnp.float32),
        pltpu.SemaphoreType.DMA,
    ],
    compiler_params=_sc_params,
)


def _pool_body(aggp_ref, y_ref, dinv_ref, batch_ref, bg_ref,
               W1_ref, b1_ref, w2p_ref, b2_ref, out_ref, sums_ref, cnt_ref):
    g = pl.program_id(0)

    @pl.when(g == 0)
    def _():
        sums_ref[...] = jnp.zeros((128, 128), jnp.float32)
        cnt_ref[...] = jnp.zeros((1, 128), jnp.float32)

    z = aggp_ref[0] + aggp_ref[1] + y_ref[...]
    dT = jnp.transpose(dinv_ref[...])
    bT = jnp.transpose(batch_ref[...])
    iota_l = lax.broadcasted_iota(jnp.int32, (128, 128), 1)
    bg = bg_ref[...]
    sums = sums_ref[...]
    cnt = cnt_ref[...]
    for i in range(8):
        zi = z[i * 128:(i + 1) * 128, :]
        h = jnp.maximum(zi * dT[:, i:i + 1] + bg, 0.0)
        pt = (bT[:, i:i + 1] == iota_l).astype(jnp.float32)
        sums = sums + lax.dot_general(
            pt, h, (((0,), (0,)), ((), ())),
            preferred_element_type=jnp.float32,
            precision=lax.Precision.HIGHEST)
        cnt = cnt + jnp.sum(pt, axis=0, keepdims=True)
    sums_ref[...] = sums
    cnt_ref[...] = cnt

    @pl.when(g == pl.num_programs(0) - 1)
    def _():
        cntT = jnp.transpose(jnp.maximum(cnt_ref[...], 1.0))
        gf = sums_ref[...] / cntT
        hid = jnp.maximum(
            jnp.dot(gf, W1_ref[...], preferred_element_type=jnp.float32)
            + b1_ref[...], 0.0)
        full = jnp.dot(hid, w2p_ref[...], preferred_element_type=jnp.float32)
        out_ref[...] = jnp.transpose(full[:, 0:1]) + b2_ref[0, 0]


_pool_call = pl.pallas_call(
    _pool_body,
    grid=(GN,),
    in_specs=[
        pl.BlockSpec((NC, RB, D), lambda g: (0, g, 0)),
        pl.BlockSpec((RB, D), lambda g: (g, 0)),
        pl.BlockSpec((RB // 128, 128), lambda g: (g, 0)),
        pl.BlockSpec((RB // 128, 128), lambda g: (g, 0)),
        pl.BlockSpec((1, D), lambda g: (0, 0)),
        pl.BlockSpec((D, D), lambda g: (0, 0)),
        pl.BlockSpec((1, D), lambda g: (0, 0)),
        pl.BlockSpec((D, D), lambda g: (0, 0)),
        pl.BlockSpec((1, 1), lambda g: (0, 0)),
    ],
    out_specs=pl.BlockSpec((1, 128), lambda g: (0, 0)),
    out_shape=jax.ShapeDtypeStruct((1, 128), jnp.float32),
    scratch_shapes=[
        pltpu.VMEM((128, 128), jnp.float32),
        pltpu.VMEM((1, 128), jnp.float32),
    ],
    compiler_params=pltpu.CompilerParams(
        dimension_semantics=("arbitrary",)),
)


def kernel(x, edge_index, batch_vec, W_gcn, b_gcn, W1, b1, W2, b2):
    pad_e = E_PAD - E
    pad_idx = jnp.full((pad_e,), PAD_ROW, jnp.int32)
    src3 = jnp.concatenate([edge_index[0], pad_idx]).reshape(NW, CPT, CH)
    dst3 = jnp.concatenate([edge_index[1], pad_idx]).reshape(NW, CPT, CH)

    degp = _deg_call(dst3.reshape(NW, N_PAD // 16, 16))
    degp_r = degp.reshape(NW, N_PAD // 128, 128)

    x_pad = jnp.concatenate([x, jnp.zeros((N_PAD - N, D), x.dtype)])
    q, dinv2 = _scale_call(x_pad, degp_r, W_gcn)

    aggp = _agg_call(q, src3, dst3)

    batchp = jnp.concatenate(
        [batch_vec, jnp.full((N_PAD - N,), B, jnp.int32)]
    ).reshape(N_PAD // 128, 128)

    w2p = jnp.pad(W2, ((0, 0), (0, D - 1)))
    out = _pool_call(aggp, q, dinv2, batchp,
                     b_gcn.reshape(1, D), W1, b1.reshape(1, D),
                     w2p, b2.reshape(1, 1))
    return out[0, :B]

# --- scband reference (transcript-rebuilt; emitter-appended) ---
"""Pipeline reference for scband-krispmed-vqamodel-33122787786758 (READ-ONLY COPY).

The authoritative reference and input builder live on the scoring server;
editing this copy changes nothing except your own understanding.
"""

import jax, jax.numpy as jnp
import numpy as np

N = 10000
E = 320000
D = 128
B = 64


def setup_inputs(seed: int = 0) -> dict:
    key = jax.random.key(seed)
    ks = jax.random.split(key, 9)
    x = jax.random.normal(ks[0], (N, D), dtype=jnp.float32)
    edge_index = jax.random.randint(ks[1], (2, E), 0, N, dtype=jnp.int32)
    batch_vec = jnp.sort(jax.random.randint(ks[2], (N,), 0, B, dtype=jnp.int32))
    # GCNConv(projection_dim, projection_dim) weight + bias
    W_gcn = jax.random.normal(ks[3], (D, D), dtype=jnp.float32) * (1.0 / np.sqrt(D))
    b_gcn = jnp.zeros((D,), dtype=jnp.float32)
    # symbolic_classifier: Linear(D, D) -> ReLU -> Dropout -> Linear(D, 1)
    W1 = jax.random.normal(ks[4], (D, D), dtype=jnp.float32) * (1.0 / np.sqrt(D))
    b1 = jnp.zeros((D,), dtype=jnp.float32)
    W2 = jax.random.normal(ks[5], (D, 1), dtype=jnp.float32) * (1.0 / np.sqrt(D))
    b2 = jnp.zeros((1,), dtype=jnp.float32)
    return {"x": x, "edge_index": edge_index, "batch_vec": batch_vec,
            "W_gcn": W_gcn, "b_gcn": b_gcn, "W1": W1, "b1": b1, "W2": W2, "b2": b2}


def _gcn_conv(x, edge_index, W, b):
    # PyG GCNConv with add_self_loops=True, symmetric normalization
    n = x.shape[0]
    loop = jnp.arange(n, dtype=edge_index.dtype)
    src = jnp.concatenate([edge_index[0], loop])
    dst = jnp.concatenate([edge_index[1], loop])
    deg = jnp.zeros((n,), dtype=x.dtype).at[dst].add(1.0)
    dinv = jnp.where(deg > 0, 1.0 / jnp.sqrt(deg), 0.0)
    norm = dinv[src] * dinv[dst]
    h = x @ W
    msg = h[src] * norm[:, None]
    out = jnp.zeros_like(h).at[dst].add(msg)
    return out + b


def reference(x, edge_index, batch_vec, W_gcn, b_gcn, W1, b1, W2, b2):
    # GNN branch of KRISPMedVQAModel.forward (symbolic path), eval mode (dropout off)
    h = _gcn_conv(x, edge_index, W_gcn, b_gcn)
    h = jax.nn.relu(h)
    # global_mean_pool over per-graph segments
    sums = jax.ops.segment_sum(h, batch_vec, num_segments=B)
    cnt = jax.ops.segment_sum(jnp.ones((h.shape[0],), dtype=h.dtype), batch_vec, num_segments=B)
    graph_features = sums / jnp.clip(cnt, 1.0)[:, None]
    hid = jax.nn.relu(graph_features @ W1 + b1)
    y_symbolic = (hid @ W2 + b2)[:, 0]
    return y_symbolic

if __name__ == "__main__":
    import jax
    _d = setup_inputs()
    print(jax.jit(kernel)(*tuple(_d.values())))

</pallas_src>

<mosaic_0001>
#map = affine_map<(d0, d1) -> (0, 0, 0)>
#map1 = affine_map<(d0, d1) -> (0, 0)>
module attributes {stable_mosaic.version = 14 : i64} {
  func.func @_deg_body(%arg0: i32, %arg1: i32, %arg2: memref<32x640x16xi32, #tpu.memory_space<hbm>>, %arg3: memref<32x10240xf32, #tpu.memory_space<hbm>>, %arg4: memref<640x16xi32, #tpu.memory_space<vmem>>, %arg5: memref<10240xf32, #tpu.memory_space<vmem>>) attributes {dimension_semantics = [#tpu.dimension_semantics<core_parallel>, #tpu.dimension_semantics<subcore_parallel>], iteration_bounds = array<i64: 2, 16>, scalar_prefetch = 0 : i64, scratch_operands = 2 : i64, tpu.core_type = #tpu.core_type<sc_vector_subcore>, window_params = [{transform_indices = #map}, {transform_indices = #map1}]} {
    %mul3A = arith.constant 2 : i32
    %mul3A_0 = arith.muli %arg1, %mul3A : i32
    %add3A = arith.addi %mul3A_0, %arg0 : i32
    "tpu.region"() ({
      %run_scoped3A = tpu.sem_alloc : memref<!tpu.dma_semaphore, #tpu.memory_space<semaphore_mem>>
      %dma_start3A = arith.constant 0 : i32
      %dma_start3A_13 = arith.constant 0 : i32
      %dma_start3A_14 = tpu.memref_slice %arg2[%add3A, %dma_start3A, %dma_start3A_13] : memref<32x640x16xi32, #tpu.memory_space<hbm>> -> memref<1x640x16xi32, #tpu.memory_space<hbm>>
      %dma_start3A_15 = tpu.memref_squeeze %dma_start3A_14 : memref<1x640x16xi32, #tpu.memory_space<hbm>> -> memref<640x16xi32, #tpu.memory_space<hbm>>
      %dma_start3A_16 = arith.constant 0 : i32
      %dma_start3A_17 = arith.constant 0 : i32
      %dma_start3A_18 = tpu.memref_slice %arg2[%add3A, %dma_start3A_16, %dma_start3A_17] : memref<32x640x16xi32, #tpu.memory_space<hbm>> -> memref<1x640x16xi32, #tpu.memory_space<hbm>>
      %dma_start3A_19 = tpu.memref_squeeze %dma_start3A_18 : memref<1x640x16xi32, #tpu.memory_space<hbm>> -> memref<640x16xi32, #tpu.memory_space<hbm>>
      tpu.enqueue_dma source(%dma_start3A_19 : memref<640x16xi32, #tpu.memory_space<hbm>>) target(%arg4 : memref<640x16xi32, #tpu.memory_space<vmem>>) target_semaphore(%run_scoped3A : memref<!tpu.dma_semaphore, #tpu.memory_space<semaphore_mem>>)
      %dma_wait3A = arith.constant 0 : i32
      %dma_wait3A_20 = arith.constant 0 : i32
      %dma_wait3A_21 = tpu.memref_slice %arg2[%add3A, %dma_wait3A, %dma_wait3A_20] : memref<32x640x16xi32, #tpu.memory_space<hbm>> -> memref<1x640x16xi32, #tpu.memory_space<hbm>>
      %dma_wait3A_22 = tpu.memref_squeeze %dma_wait3A_21 : memref<1x640x16xi32, #tpu.memory_space<hbm>> -> memref<640x16xi32, #tpu.memory_space<hbm>>
      %dma_wait3A_23 = arith.constant 0 : i32
      %dma_wait3A_24 = arith.constant 0 : i32
      %dma_wait3A_25 = tpu.memref_slice %arg2[%add3A, %dma_wait3A_23, %dma_wait3A_24] : memref<32x640x16xi32, #tpu.memory_space<hbm>> -> memref<1x640x16xi32, #tpu.memory_space<hbm>>
      %dma_wait3A_26 = tpu.memref_squeeze %dma_wait3A_25 : memref<1x640x16xi32, #tpu.memory_space<hbm>> -> memref<640x16xi32, #tpu.memory_space<hbm>>
      tpu.wait_dma2 semaphore(%run_scoped3A : memref<!tpu.dma_semaphore, #tpu.memory_space<semaphore_mem>>) src(%dma_wait3A_26 : memref<640x16xi32, #tpu.memory_space<hbm>>) dst(%arg4 : memref<640x16xi32, #tpu.memory_space<vmem>>)
      tpu.yield
    }) : () -> ()
    %scan3A = arith.constant 0 : i32
    %scan3A_1 = arith.constant 0 : i32
    %scan3A_2 = arith.constant 640 : i32
    %scan3A_3 = arith.addi %scan3A_1, %scan3A_2 : i32
    %scan3A_4 = arith.constant 1 : i32
    scf.for %scan3A_13 = %scan3A_1 to %scan3A_3 step %scan3A_4  : i32 {
      %broadcast_in_dim3A_14 = arith.constant 0.000000e+00 : f32
      %broadcast_in_dim3A_15 = vector.broadcast %broadcast_in_dim3A_14 : f32 to vector<16xf32>
      %mul3A_16 = arith.constant 16 : i32
      %mul3A_17 = arith.muli %scan3A_13, %mul3A_16 : i32
      %swap3A = arith.index_cast %mul3A_17 : i32 to index
      %swap3A_18 = tpu.vector_load %arg5[%swap3A] {strides = array<i32>} : memref<10240xf32, #tpu.memory_space<vmem>>, vector<16xf32>,
      tpu.vector_store %arg5[%swap3A], %broadcast_in_dim3A_15 {strides = array<i32>} : memref<10240xf32, #tpu.memory_space<vmem>>, vector<16xf32>,
    }
    %scan3A_5 = arith.constant 640 : i32
    %broadcast_in_dim3A = arith.constant 1.000000e+00 : f32
    %broadcast_in_dim3A_6 = vector.broadcast %broadcast_in_dim3A : f32 to vector<16xf32>
    %scan3A_7 = arith.constant 0 : i32
    %scan3A_8 = arith.constant 0 : i32
    %scan3A_9 = arith.constant 640 : i32
    %scan3A_10 = arith.addi %scan3A_8, %scan3A_9 : i32
    %scan3A_11 = arith.constant 1 : i32
    scf.for %scan3A_13 = %scan3A_8 to %scan3A_10 step %scan3A_11  : i32 {
      %get3A = arith.index_cast %scan3A_13 : i32 to index
      %get3A_14 = arith.constant 0 : index
      %get3A_15 = tpu.vector_load %arg4[%get3A, %get3A_14] {strides = array<i32>} : memref<640x16xi32, #tpu.memory_space<vmem>>, vector<16xi32>,
      tpu.vector_store_idx %arg5[%get3A_15], %broadcast_in_dim3A_6 {add = true} : memref<10240xf32, #tpu.memory_space<vmem>>[vector<16xi32>], vector<16xf32>,
    }
    %scan3A_12 = arith.constant 640 : i32
    "tpu.region"() ({
      %run_scoped3A = tpu.sem_alloc : memref<!tpu.dma_semaphore, #tpu.memory_space<semaphore_mem>>
      %dma_start3A = arith.constant 0 : i32
      %dma_start3A_13 = tpu.memref_slice %arg3[%add3A, %dma_start3A] : memref<32x10240xf32, #tpu.memory_space<hbm>> -> memref<1x10240xf32, #tpu.memory_space<hbm>>
      %dma_start3A_14 = tpu.memref_squeeze %dma_start3A_13 : memref<1x10240xf32, #tpu.memory_space<hbm>> -> memref<10240xf32, #tpu.memory_space<hbm>>
      %dma_start3A_15 = arith.constant 0 : i32
      %dma_start3A_16 = tpu.memref_slice %arg3[%add3A, %dma_start3A_15] : memref<32x10240xf32, #tpu.memory_space<hbm>> -> memref<1x10240xf32, #tpu.memory_space<hbm>>
      %dma_start3A_17 = tpu.memref_squeeze %dma_start3A_16 : memref<1x10240xf32, #tpu.memory_space<hbm>> -> memref<10240xf32, #tpu.memory_space<hbm>>
      tpu.enqueue_dma source(%arg5 : memref<10240xf32, #tpu.memory_space<vmem>>) target(%dma_start3A_17 : memref<10240xf32, #tpu.memory_space<hbm>>) target_semaphore(%run_scoped3A : memref<!tpu.dma_semaphore, #tpu.memory_space<semaphore_mem>>)
      %dma_wait3A = arith.constant 0 : i32
      %dma_wait3A_18 = tpu.memref_slice %arg3[%add3A, %dma_wait3A] : memref<32x10240xf32, #tpu.memory_space<hbm>> -> memref<1x10240xf32, #tpu.memory_space<hbm>>
      %dma_wait3A_19 = tpu.memref_squeeze %dma_wait3A_18 : memref<1x10240xf32, #tpu.memory_space<hbm>> -> memref<10240xf32, #tpu.memory_space<hbm>>
      %dma_wait3A_20 = arith.constant 0 : i32
      %dma_wait3A_21 = tpu.memref_slice %arg3[%add3A, %dma_wait3A_20] : memref<32x10240xf32, #tpu.memory_space<hbm>> -> memref<1x10240xf32, #tpu.memory_space<hbm>>
      %dma_wait3A_22 = tpu.memref_squeeze %dma_wait3A_21 : memref<1x10240xf32, #tpu.memory_space<hbm>> -> memref<10240xf32, #tpu.memory_space<hbm>>
      tpu.wait_dma2 semaphore(%run_scoped3A : memref<!tpu.dma_semaphore, #tpu.memory_space<semaphore_mem>>) src(%arg5 : memref<10240xf32, #tpu.memory_space<vmem>>) dst(%dma_wait3A_22 : memref<10240xf32, #tpu.memory_space<hbm>>)
      tpu.yield
    }) : () -> ()
    return
  }
}

#map = affine_map<(d0, d1) -> (0, 0)>
#map1 = affine_map<(d0, d1) -> (0, 0, 0)>
module attributes {stable_mosaic.version = 14 : i64} {
  func.func @_agg_body(%arg0: i32, %arg1: i32, %arg2: memref<10240x128xf32, #tpu.memory_space<hbm>>, %arg3: memref<32x80x128xi32, #tpu.memory_space<hbm>>, %arg4: memref<32x80x128xi32, #tpu.memory_space<hbm>>, %arg5: memref<2x10240x128xf32, #tpu.memory_space<hbm>>, %arg6: memref<80x128xi32, #tpu.memory_space<vmem>>, %arg7: memref<80x128xi32, #tpu.memory_space<vmem>>, %arg8: memref<128x128xf32, #tpu.memory_space<vmem>>, %arg9: memref<10240x128xf32, #tpu.memory_space<vmem_shared>>, %arg10: memref<!tpu.dma_semaphore, #tpu.memory_space<semaphore_mem>>) attributes {dimension_semantics = [#tpu.dimension_semantics<core_parallel>, #tpu.dimension_semantics<subcore_parallel>], iteration_bounds = array<i64: 2, 16>, scalar_prefetch = 0 : i64, scratch_operands = 5 : i64, tpu.core_type = #tpu.core_type<sc_vector_subcore>, window_params = [{transform_indices = #map}, {transform_indices = #map1}, {transform_indices = #map1}, {transform_indices = #map1}]} {
    %mul3A = arith.constant 2 : i32
    %mul3A_0 = arith.muli %arg1, %mul3A : i32
    %add3A = arith.addi %mul3A_0, %arg0 : i32
    "tpu.region"() ({
      %run_scoped3A = tpu.sem_alloc : memref<!tpu.dma_semaphore, #tpu.memory_space<semaphore_mem>>
      %dma_start3A = arith.constant 0 : i32
      %dma_start3A_45 = arith.constant 0 : i32
      %dma_start3A_46 = tpu.memref_slice %arg3[%add3A, %dma_start3A, %dma_start3A_45] : memref<32x80x128xi32, #tpu.memory_space<hbm>> -> memref<1x80x128xi32, #tpu.memory_space<hbm>>
      %dma_start3A_47 = tpu.memref_squeeze %dma_start3A_46 : memref<1x80x128xi32, #tpu.memory_space<hbm>> -> memref<80x128xi32, #tpu.memory_space<hbm>>
      %dma_start3A_48 = arith.constant 0 : i32
      %dma_start3A_49 = arith.constant 0 : i32
      %dma_start3A_50 = tpu.memref_slice %arg3[%add3A, %dma_start3A_48, %dma_start3A_49] : memref<32x80x128xi32, #tpu.memory_space<hbm>> -> memref<1x80x128xi32, #tpu.memory_space<hbm>>
      %dma_start3A_51 = tpu.memref_squeeze %dma_start3A_50 : memref<1x80x128xi32, #tpu.memory_space<hbm>> -> memref<80x128xi32, #tpu.memory_space<hbm>>
      tpu.enqueue_dma source(%dma_start3A_51 : memref<80x128xi32, #tpu.memory_space<hbm>>) target(%arg6 : memref<80x128xi32, #tpu.memory_space<vmem>>) target_semaphore(%run_scoped3A : memref<!tpu.dma_semaphore, #tpu.memory_space<semaphore_mem>>)
      %dma_wait3A = arith.constant 0 : i32
      %dma_wait3A_52 = arith.constant 0 : i32
      %dma_wait3A_53 = tpu.memref_slice %arg3[%add3A, %dma_wait3A, %dma_wait3A_52] : memref<32x80x128xi32, #tpu.memory_space<hbm>> -> memref<1x80x128xi32, #tpu.memory_space<hbm>>
      %dma_wait3A_54 = tpu.memref_squeeze %dma_wait3A_53 : memref<1x80x128xi32, #tpu.memory_space<hbm>> -> memref<80x128xi32, #tpu.memory_space<hbm>>
      %dma_wait3A_55 = arith.constant 0 : i32
      %dma_wait3A_56 = arith.constant 0 : i32
      %dma_wait3A_57 = tpu.memref_slice %arg3[%add3A, %dma_wait3A_55, %dma_wait3A_56] : memref<32x80x128xi32, #tpu.memory_space<hbm>> -> memref<1x80x128xi32, #tpu.memory_space<hbm>>
      %dma_wait3A_58 = tpu.memref_squeeze %dma_wait3A_57 : memref<1x80x128xi32, #tpu.memory_space<hbm>> -> memref<80x128xi32, #tpu.memory_space<hbm>>
      tpu.wait_dma2 semaphore(%run_scoped3A : memref<!tpu.dma_semaphore, #tpu.memory_space<semaphore_mem>>) src(%dma_wait3A_58 : memref<80x128xi32, #tpu.memory_space<hbm>>) dst(%arg6 : memref<80x128xi32, #tpu.memory_space<vmem>>)
      tpu.yield
    }) : () -> ()
    "tpu.region"() ({
      %run_scoped3A = tpu.sem_alloc : memref<!tpu.dma_semaphore, #tpu.memory_space<semaphore_mem>>
      %dma_start3A = arith.constant 0 : i32
      %dma_start3A_45 = arith.constant 0 : i32
      %dma_start3A_46 = tpu.memref_slice %arg4[%add3A, %dma_start3A, %dma_start3A_45] : memref<32x80x128xi32, #tpu.memory_space<hbm>> -> memref<1x80x128xi32, #tpu.memory_space<hbm>>
      %dma_start3A_47 = tpu.memref_squeeze %dma_start3A_46 : memref<1x80x128xi32, #tpu.memory_space<hbm>> -> memref<80x128xi32, #tpu.memory_space<hbm>>
      %dma_start3A_48 = arith.constant 0 : i32
      %dma_start3A_49 = arith.constant 0 : i32
      %dma_start3A_50 = tpu.memref_slice %arg4[%add3A, %dma_start3A_48, %dma_start3A_49] : memref<32x80x128xi32, #tpu.memory_space<hbm>> -> memref<1x80x128xi32, #tpu.memory_space<hbm>>
      %dma_start3A_51 = tpu.memref_squeeze %dma_start3A_50 : memref<1x80x128xi32, #tpu.memory_space<hbm>> -> memref<80x128xi32, #tpu.memory_space<hbm>>
      tpu.enqueue_dma source(%dma_start3A_51 : memref<80x128xi32, #tpu.memory_space<hbm>>) target(%arg7 : memref<80x128xi32, #tpu.memory_space<vmem>>) target_semaphore(%run_scoped3A : memref<!tpu.dma_semaphore, #tpu.memory_space<semaphore_mem>>)
      %dma_wait3A = arith.constant 0 : i32
      %dma_wait3A_52 = arith.constant 0 : i32
      %dma_wait3A_53 = tpu.memref_slice %arg4[%add3A, %dma_wait3A, %dma_wait3A_52] : memref<32x80x128xi32, #tpu.memory_space<hbm>> -> memref<1x80x128xi32, #tpu.memory_space<hbm>>
      %dma_wait3A_54 = tpu.memref_squeeze %dma_wait3A_53 : memref<1x80x128xi32, #tpu.memory_space<hbm>> -> memref<80x128xi32, #tpu.memory_space<hbm>>
      %dma_wait3A_55 = arith.constant 0 : i32
      %dma_wait3A_56 = arith.constant 0 : i32
      %dma_wait3A_57 = tpu.memref_slice %arg4[%add3A, %dma_wait3A_55, %dma_wait3A_56] : memref<32x80x128xi32, #tpu.memory_space<hbm>> -> memref<1x80x128xi32, #tpu.memory_space<hbm>>
      %dma_wait3A_58 = tpu.memref_squeeze %dma_wait3A_57 : memref<1x80x128xi32, #tpu.memory_space<hbm>> -> memref<80x128xi32, #tpu.memory_space<hbm>>
      tpu.wait_dma2 semaphore(%run_scoped3A : memref<!tpu.dma_semaphore, #tpu.memory_space<semaphore_mem>>) src(%dma_wait3A_58 : memref<80x128xi32, #tpu.memory_space<hbm>>) dst(%arg7 : memref<80x128xi32, #tpu.memory_space<vmem>>)
      tpu.yield
    }) : () -> ()
    %scan3A = arith.constant 0 : i32
    %scan3A_1 = arith.constant 0 : i32
    %scan3A_2 = arith.constant 128 : i32
    %scan3A_3 = arith.addi %scan3A_1, %scan3A_2 : i32
    %scan3A_4 = arith.constant 1 : i32
    scf.for %scan3A_45 = %scan3A_1 to %scan3A_3 step %scan3A_4  : i32 {
      %scan3A_46 = arith.constant 0 : i32
      %scan3A_47 = arith.constant 0 : i32
      %scan3A_48 = arith.constant 8 : i32
      %scan3A_49 = arith.addi %scan3A_47, %scan3A_48 : i32
      %scan3A_50 = arith.constant 1 : i32
      scf.for %scan3A_52 = %scan3A_47 to %scan3A_49 step %scan3A_50  : i32 {
        %broadcast_in_dim3A = arith.constant 0.000000e+00 : f32
        %broadcast_in_dim3A_53 = vector.broadcast %broadcast_in_dim3A : f32 to vector<16xf32>
        %mul3A_54 = arith.constant 16 : i32
        %mul3A_55 = arith.muli %scan3A_52, %mul3A_54 : i32
        %swap3A = arith.index_cast %scan3A_45 : i32 to index
        %swap3A_56 = arith.index_cast %mul3A_55 : i32 to index
        %swap3A_57 = tpu.vector_load %arg8[%swap3A, %swap3A_56] {strides = array<i32>} : memref<128x128xf32, #tpu.memory_space<vmem>>, vector<16xf32>,
        tpu.vector_store %arg8[%swap3A, %swap3A_56], %broadcast_in_dim3A_53 {strides = array<i32>} : memref<128x128xf32, #tpu.memory_space<vmem>>, vector<16xf32>,
      }
      %scan3A_51 = arith.constant 8 : i32
    }
    %scan3A_5 = arith.constant 128 : i32
    %mul3A_6 = arith.constant 640 : i32
    %mul3A_7 = arith.muli %arg1, %mul3A_6 : i32
    %add3A_8 = arith.constant 0 : i32
    %add3A_9 = arith.addi %mul3A_7, %add3A_8 : i32
    "tpu.region"() ({
      %run_scoped3A = tpu.sem_alloc : memref<!tpu.dma_semaphore, #tpu.memory_space<semaphore_mem>>
      %dma_start3A = arith.constant 0 : i32
      %dma_start3A_45 = tpu.memref_slice %arg9[%add3A_9, %dma_start3A] : memref<10240x128xf32, #tpu.memory_space<vmem_shared>> -> memref<128x128xf32, #tpu.memory_space<vmem_shared>>
      %dma_start3A_46 = arith.constant 0 : i32
      %dma_start3A_47 = tpu.memref_slice %arg9[%add3A_9, %dma_start3A_46] : memref<10240x128xf32, #tpu.memory_space<vmem_shared>> -> memref<128x128xf32, #tpu.memory_space<vmem_shared>>
      tpu.enqueue_dma source(%arg8 : memref<128x128xf32, #tpu.memory_space<vmem>>) target(%dma_start3A_47 : memref<128x128xf32, #tpu.memory_space<vmem_shared>>) target_semaphore(%run_scoped3A : memref<!tpu.dma_semaphore, #tpu.memory_space<semaphore_mem>>)
      %dma_wait3A = arith.constant 0 : i32
      %dma_wait3A_48 = tpu.memref_slice %arg9[%add3A_9, %dma_wait3A] : memref<10240x128xf32, #tpu.memory_space<vmem_shared>> -> memref<128x128xf32, #tpu.memory_space<vmem_shared>>
      %dma_wait3A_49 = arith.constant 0 : i32
      %dma_wait3A_50 = tpu.memref_slice %arg9[%add3A_9, %dma_wait3A_49] : memref<10240x128xf32, #tpu.memory_space<vmem_shared>> -> memref<128x128xf32, #tpu.memory_space<vmem_shared>>
      tpu.wait_dma2 semaphore(%run_scoped3A : memref<!tpu.dma_semaphore, #tpu.memory_space<semaphore_mem>>) src(%arg8 : memref<128x128xf32, #tpu.memory_space<vmem>>) dst(%dma_wait3A_50 : memref<128x128xf32, #tpu.memory_space<vmem_shared>>)
      tpu.yield
    }) : () -> ()
    %add3A_10 = arith.constant 128 : i32
    %add3A_11 = arith.addi %mul3A_7, %add3A_10 : i32
    "tpu.region"() ({
      %run_scoped3A = tpu.sem_alloc : memref<!tpu.dma_semaphore, #tpu.memory_space<semaphore_mem>>
      %dma_start3A = arith.constant 0 : i32
      %dma_start3A_45 = tpu.memref_slice %arg9[%add3A_11, %dma_start3A] : memref<10240x128xf32, #tpu.memory_space<vmem_shared>> -> memref<128x128xf32, #tpu.memory_space<vmem_shared>>
      %dma_start3A_46 = arith.constant 0 : i32
      %dma_start3A_47 = tpu.memref_slice %arg9[%add3A_11, %dma_start3A_46] : memref<10240x128xf32, #tpu.memory_space<vmem_shared>> -> memref<128x128xf32, #tpu.memory_space<vmem_shared>>
      tpu.enqueue_dma source(%arg8 : memref<128x128xf32, #tpu.memory_space<vmem>>) target(%dma_start3A_47 : memref<128x128xf32, #tpu.memory_space<vmem_shared>>) target_semaphore(%run_scoped3A : memref<!tpu.dma_semaphore, #tpu.memory_space<semaphore_mem>>)
      %dma_wait3A = arith.constant 0 : i32
      %dma_wait3A_48 = tpu.memref_slice %arg9[%add3A_11, %dma_wait3A] : memref<10240x128xf32, #tpu.memory_space<vmem_shared>> -> memref<128x128xf32, #tpu.memory_space<vmem_shared>>
      %dma_wait3A_49 = arith.constant 0 : i32
      %dma_wait3A_50 = tpu.memref_slice %arg9[%add3A_11, %dma_wait3A_49] : memref<10240x128xf32, #tpu.memory_space<vmem_shared>> -> memref<128x128xf32, #tpu.memory_space<vmem_shared>>
      tpu.wait_dma2 semaphore(%run_scoped3A : memref<!tpu.dma_semaphore, #tpu.memory_space<semaphore_mem>>) src(%arg8 : memref<128x128xf32, #tpu.memory_space<vmem>>) dst(%dma_wait3A_50 : memref<128x128xf32, #tpu.memory_space<vmem_shared>>)
      tpu.yield
    }) : () -> ()
    %add3A_12 = arith.constant 256 : i32
    %add3A_13 = arith.addi %mul3A_7, %add3A_12 : i32
    "tpu.region"() ({
      %run_scoped3A = tpu.sem_alloc : memref<!tpu.dma_semaphore, #tpu.memory_space<semaphore_mem>>
      %dma_start3A = arith.constant 0 : i32
      %dma_start3A_45 = tpu.memref_slice %arg9[%add3A_13, %dma_start3A] : memref<10240x128xf32, #tpu.memory_space<vmem_shared>> -> memref<128x128xf32, #tpu.memory_space<vmem_shared>>
      %dma_start3A_46 = arith.constant 0 : i32
      %dma_start3A_47 = tpu.memref_slice %arg9[%add3A_13, %dma_start3A_46] : memref<10240x128xf32, #tpu.memory_space<vmem_shared>> -> memref<128x128xf32, #tpu.memory_space<vmem_shared>>
      tpu.enqueue_dma source(%arg8 : memref<128x128xf32, #tpu.memory_space<vmem>>) target(%dma_start3A_47 : memref<128x128xf32, #tpu.memory_space<vmem_shared>>) target_semaphore(%run_scoped3A : memref<!tpu.dma_semaphore, #tpu.memory_space<semaphore_mem>>)
      %dma_wait3A = arith.constant 0 : i32
      %dma_wait3A_48 = tpu.memref_slice %arg9[%add3A_13, %dma_wait3A] : memref<10240x128xf32, #tpu.memory_space<vmem_shared>> -> memref<128x128xf32, #tpu.memory_space<vmem_shared>>
      %dma_wait3A_49 = arith.constant 0 : i32
      %dma_wait3A_50 = tpu.memref_slice %arg9[%add3A_13, %dma_wait3A_49] : memref<10240x128xf32, #tpu.memory_space<vmem_shared>> -> memref<128x128xf32, #tpu.memory_space<vmem_shared>>
      tpu.wait_dma2 semaphore(%run_scoped3A : memref<!tpu.dma_semaphore, #tpu.memory_space<semaphore_mem>>) src(%arg8 : memref<128x128xf32, #tpu.memory_space<vmem>>) dst(%dma_wait3A_50 : memref<128x128xf32, #tpu.memory_space<vmem_shared>>)
      tpu.yield
    }) : () -> ()
    %add3A_14 = arith.constant 384 : i32
    %add3A_15 = arith.addi %mul3A_7, %add3A_14 : i32
    "tpu.region"() ({
      %run_scoped3A = tpu.sem_alloc : memref<!tpu.dma_semaphore, #tpu.memory_space<semaphore_mem>>
      %dma_start3A = arith.constant 0 : i32
      %dma_start3A_45 = tpu.memref_slice %arg9[%add3A_15, %dma_start3A] : memref<10240x128xf32, #tpu.memory_space<vmem_shared>> -> memref<128x128xf32, #tpu.memory_space<vmem_shared>>
      %dma_start3A_46 = arith.constant 0 : i32
      %dma_start3A_47 = tpu.memref_slice %arg9[%add3A_15, %dma_start3A_46] : memref<10240x128xf32, #tpu.memory_space<vmem_shared>> -> memref<128x128xf32, #tpu.memory_space<vmem_shared>>
      tpu.enqueue_dma source(%arg8 : memref<128x128xf32, #tpu.memory_space<vmem>>) target(%dma_start3A_47 : memref<128x128xf32, #tpu.memory_space<vmem_shared>>) target_semaphore(%run_scoped3A : memref<!tpu.dma_semaphore, #tpu.memory_space<semaphore_mem>>)
      %dma_wait3A = arith.constant 0 : i32
      %dma_wait3A_48 = tpu.memref_slice %arg9[%add3A_15, %dma_wait3A] : memref<10240x128xf32, #tpu.memory_space<vmem_shared>> -> memref<128x128xf32, #tpu.memory_space<vmem_shared>>
      %dma_wait3A_49 = arith.constant 0 : i32
      %dma_wait3A_50 = tpu.memref_slice %arg9[%add3A_15, %dma_wait3A_49] : memref<10240x128xf32, #tpu.memory_space<vmem_shared>> -> memref<128x128xf32, #tpu.memory_space<vmem_shared>>
      tpu.wait_dma2 semaphore(%run_scoped3A : memref<!tpu.dma_semaphore, #tpu.memory_space<semaphore_mem>>) src(%arg8 : memref<128x128xf32, #tpu.memory_space<vmem>>) dst(%dma_wait3A_50 : memref<128x128xf32, #tpu.memory_space<vmem_shared>>)
      tpu.yield
    }) : () -> ()
    %add3A_16 = arith.constant 512 : i32
    %add3A_17 = arith.addi %mul3A_7, %add3A_16 : i32
    "tpu.region"() ({
      %run_scoped3A = tpu.sem_alloc : memref<!tpu.dma_semaphore, #tpu.memory_space<semaphore_mem>>
      %dma_start3A = arith.constant 0 : i32
      %dma_start3A_45 = tpu.memref_slice %arg9[%add3A_17, %dma_start3A] : memref<10240x128xf32, #tpu.memory_space<vmem_shared>> -> memref<128x128xf32, #tpu.memory_space<vmem_shared>>
      %dma_start3A_46 = arith.constant 0 : i32
      %dma_start3A_47 = tpu.memref_slice %arg9[%add3A_17, %dma_start3A_46] : memref<10240x128xf32, #tpu.memory_space<vmem_shared>> -> memref<128x128xf32, #tpu.memory_space<vmem_shared>>
      tpu.enqueue_dma source(%arg8 : memref<128x128xf32, #tpu.memory_space<vmem>>) target(%dma_start3A_47 : memref<128x128xf32, #tpu.memory_space<vmem_shared>>) target_semaphore(%run_scoped3A : memref<!tpu.dma_semaphore, #tpu.memory_space<semaphore_mem>>)
      %dma_wait3A = arith.constant 0 : i32
      %dma_wait3A_48 = tpu.memref_slice %arg9[%add3A_17, %dma_wait3A] : memref<10240x128xf32, #tpu.memory_space<vmem_shared>> -> memref<128x128xf32, #tpu.memory_space<vmem_shared>>
      %dma_wait3A_49 = arith.constant 0 : i32
      %dma_wait3A_50 = tpu.memref_slice %arg9[%add3A_17, %dma_wait3A_49] : memref<10240x128xf32, #tpu.memory_space<vmem_shared>> -> memref<128x128xf32, #tpu.memory_space<vmem_shared>>
      tpu.wait_dma2 semaphore(%run_scoped3A : memref<!tpu.dma_semaphore, #tpu.memory_space<semaphore_mem>>) src(%arg8 : memref<128x128xf32, #tpu.memory_space<vmem>>) dst(%dma_wait3A_50 : memref<128x128xf32, #tpu.memory_space<vmem_shared>>)
      tpu.yield
    }) : () -> ()
    %barrier3A = arith.constant 0 : index
    tpu.barrier barrier_id(%barrier3A)
    %scan3A_18 = arith.constant 0 : i32
    %scan3A_19 = arith.constant 0 : i32
    %scan3A_20 = arith.constant 80 : i32
    %scan3A_21 = arith.addi %scan3A_19, %scan3A_20 : i32
    %scan3A_22 = arith.constant 1 : i32
    scf.for %scan3A_45 = %scan3A_19 to %scan3A_21 step %scan3A_22  : i32 {
      %dma_start3A = arith.constant 0 : i32
      %dma_start3A_46 = tpu.memref_slice %arg6[%scan3A_45, %dma_start3A] : memref<80x128xi32, #tpu.memory_space<vmem>> -> memref<1x128xi32, #tpu.memory_space<vmem>>
      %dma_start3A_47 = tpu.memref_squeeze %dma_start3A_46 : memref<1x128xi32, #tpu.memory_space<vmem>> -> memref<128xi32, #tpu.memory_space<vmem>>
      %dma_start3A_48 = arith.constant 0 : i32
      %dma_start3A_49 = arith.constant 0 : i32
      %dma_start3A_50 = tpu.memref_slice %arg2[%dma_start3A_48, %dma_start3A_49] : memref<10240x128xf32, #tpu.memory_space<hbm>> -> memref<10240x128xf32, #tpu.memory_space<hbm>>
      tpu.enqueue_indirect_dma source(%dma_start3A_50 : memref<10240x128xf32, #tpu.memory_space<hbm>>) target(%arg8 : memref<128x128xf32, #tpu.memory_space<vmem>>) offsets(%dma_start3A_47 : memref<128xi32, #tpu.memory_space<vmem>>) semaphore(%arg10 : memref<!tpu.dma_semaphore, #tpu.memory_space<semaphore_mem>>)
      %dma_wait3A = arith.constant 0 : i32
      %dma_wait3A_51 = tpu.memref_slice %arg6[%scan3A_45, %dma_wait3A] : memref<80x128xi32, #tpu.memory_space<vmem>> -> memref<1x128xi32, #tpu.memory_space<vmem>>
      %dma_wait3A_52 = tpu.memref_squeeze %dma_wait3A_51 : memref<1x128xi32, #tpu.memory_space<vmem>> -> memref<128xi32, #tpu.memory_space<vmem>>
      %dma_wait3A_53 = arith.constant 0 : i32
      %dma_wait3A_54 = arith.constant 0 : i32
      %dma_wait3A_55 = tpu.memref_slice %arg2[%dma_wait3A_53, %dma_wait3A_54] : memref<10240x128xf32, #tpu.memory_space<hbm>> -> memref<10240x128xf32, #tpu.memory_space<hbm>>
      tpu.wait_indirect_dma semaphore(%arg10 : memref<!tpu.dma_semaphore, #tpu.memory_space<semaphore_mem>>) src(%dma_wait3A_55 : memref<10240x128xf32, #tpu.memory_space<hbm>>) dst(%arg8 : memref<128x128xf32, #tpu.memory_space<vmem>>)
      "tpu.region"() ({
        %run_scoped3A = tpu.sem_alloc : memref<!tpu.dma_semaphore, #tpu.memory_space<semaphore_mem>>
        %dma_start3A_56 = arith.constant 0 : i32
        %dma_start3A_57 = tpu.memref_slice %arg7[%scan3A_45, %dma_start3A_56] : memref<80x128xi32, #tpu.memory_space<vmem>> -> memref<1x128xi32, #tpu.memory_space<vmem>>
        %dma_start3A_58 = tpu.memref_squeeze %dma_start3A_57 : memref<1x128xi32, #tpu.memory_space<vmem>> -> memref<128xi32, #tpu.memory_space<vmem>>
        %dma_start3A_59 = arith.constant 0 : i32
        %dma_start3A_60 = arith.constant 0 : i32
        %dma_start3A_61 = tpu.memref_slice %arg9[%dma_start3A_59, %dma_start3A_60] : memref<10240x128xf32, #tpu.memory_space<vmem_shared>> -> memref<10240x128xf32, #tpu.memory_space<vmem_shared>>
        tpu.enqueue_indirect_dma source(%arg8 : memref<128x128xf32, #tpu.memory_space<vmem>>) target(%dma_start3A_61 : memref<10240x128xf32, #tpu.memory_space<vmem_shared>>) offsets(%dma_start3A_58 : memref<128xi32, #tpu.memory_space<vmem>>) semaphore(%run_scoped3A : memref<!tpu.dma_semaphore, #tpu.memory_space<semaphore_mem>>) {add = true}
        %dma_wait3A_62 = arith.constant 0 : i32
        %dma_wait3A_63 = tpu.memref_slice %arg7[%scan3A_45, %dma_wait3A_62] : memref<80x128xi32, #tpu.memory_space<vmem>> -> memref<1x128xi32, #tpu.memory_space<vmem>>
        %dma_wait3A_64 = tpu.memref_squeeze %dma_wait3A_63 : memref<1x128xi32, #tpu.memory_space<vmem>> -> memref<128xi32, #tpu.memory_space<vmem>>
        %dma_wait3A_65 = arith.constant 0 : i32
        %dma_wait3A_66 = arith.constant 0 : i32
        %dma_wait3A_67 = tpu.memref_slice %arg9[%dma_wait3A_65, %dma_wait3A_66] : memref<10240x128xf32, #tpu.memory_space<vmem_shared>> -> memref<10240x128xf32, #tpu.memory_space<vmem_shared>>
        tpu.wait_indirect_dma semaphore(%run_scoped3A : memref<!tpu.dma_semaphore, #tpu.memory_space<semaphore_mem>>) src(%arg8 : memref<128x128xf32, #tpu.memory_space<vmem>>) dst(%dma_wait3A_67 : memref<10240x128xf32, #tpu.memory_space<vmem_shared>>)
        tpu.yield
      }) : () -> ()
    }
    %scan3A_23 = arith.constant 80 : i32
    %barrier3A_24 = arith.constant 0 : index
    tpu.barrier barrier_id(%barrier3A_24)
    %add3A_25 = arith.constant 0 : i32
    %add3A_26 = arith.addi %mul3A_7, %add3A_25 : i32
    %add3A_27 = arith.constant 0 : i32
    %add3A_28 = arith.addi %mul3A_7, %add3A_27 : i32
    "tpu.region"() ({
      %run_scoped3A = tpu.sem_alloc : memref<!tpu.dma_semaphore, #tpu.memory_space<semaphore_mem>>
      %dma_start3A = arith.constant 0 : i32
      %dma_start3A_45 = tpu.memref_slice %arg5[%arg0, %add3A_28, %dma_start3A] : memref<2x10240x128xf32, #tpu.memory_space<hbm>> -> memref<1x128x128xf32, #tpu.memory_space<hbm>>
      %dma_start3A_46 = tpu.memref_squeeze %dma_start3A_45 : memref<1x128x128xf32, #tpu.memory_space<hbm>> -> memref<128x128xf32, #tpu.memory_space<hbm>>
      %dma_start3A_47 = arith.constant 0 : i32
      %dma_start3A_48 = tpu.memref_slice %arg9[%add3A_26, %dma_start3A_47] : memref<10240x128xf32, #tpu.memory_space<vmem_shared>> -> memref<128x128xf32, #tpu.memory_space<vmem_shared>>
      tpu.enqueue_dma source(%dma_start3A_48 : memref<128x128xf32, #tpu.memory_space<vmem_shared>>) target(%dma_start3A_46 : memref<128x128xf32, #tpu.memory_space<hbm>>) target_semaphore(%run_scoped3A : memref<!tpu.dma_semaphore, #tpu.memory_space<semaphore_mem>>)
      %dma_wait3A = arith.constant 0 : i32
      %dma_wait3A_49 = tpu.memref_slice %arg5[%arg0, %add3A_28, %dma_wait3A] : memref<2x10240x128xf32, #tpu.memory_space<hbm>> -> memref<1x128x128xf32, #tpu.memory_space<hbm>>
      %dma_wait3A_50 = tpu.memref_squeeze %dma_wait3A_49 : memref<1x128x128xf32, #tpu.memory_space<hbm>> -> memref<128x128xf32, #tpu.memory_space<hbm>>
      %dma_wait3A_51 = arith.constant 0 : i32
      %dma_wait3A_52 = tpu.memref_slice %arg9[%add3A_26, %dma_wait3A_51] : memref<10240x128xf32, #tpu.memory_space<vmem_shared>> -> memref<128x128xf32, #tpu.memory_space<vmem_shared>>
      tpu.wait_dma2 semaphore(%run_scoped3A : memref<!tpu.dma_semaphore, #tpu.memory_space<semaphore_mem>>) src(%dma_wait3A_52 : memref<128x128xf32, #tpu.memory_space<vmem_shared>>) dst(%dma_wait3A_50 : memref<128x128xf32, #tpu.memory_space<hbm>>)
      tpu.yield
    }) : () -> ()
    %add3A_29 = arith.constant 128 : i32
    %add3A_30 = arith.addi %mul3A_7, %add3A_29 : i32
    %add3A_31 = arith.constant 128 : i32
    %add3A_32 = arith.addi %mul3A_7, %add3A_31 : i32
    "tpu.region"() ({
      %run_scoped3A = tpu.sem_alloc : memref<!tpu.dma_semaphore, #tpu.memory_space<semaphore_mem>>
      %dma_start3A = arith.constant 0 : i32
      %dma_start3A_45 = tpu.memref_slice %arg5[%arg0, %add3A_32, %dma_start3A] : memref<2x10240x128xf32, #tpu.memory_space<hbm>> -> memref<1x128x128xf32, #tpu.memory_space<hbm>>
      %dma_start3A_46 = tpu.memref_squeeze %dma_start3A_45 : memref<1x128x128xf32, #tpu.memory_space<hbm>> -> memref<128x128xf32, #tpu.memory_space<hbm>>
      %dma_start3A_47 = arith.constant 0 : i32
      %dma_start3A_48 = tpu.memref_slice %arg9[%add3A_30, %dma_start3A_47] : memref<10240x128xf32, #tpu.memory_space<vmem_shared>> -> memref<128x128xf32, #tpu.memory_space<vmem_shared>>
      tpu.enqueue_dma source(%dma_start3A_48 : memref<128x128xf32, #tpu.memory_space<vmem_shared>>) target(%dma_start3A_46 : memref<128x128xf32, #tpu.memory_space<hbm>>) target_semaphore(%run_scoped3A : memref<!tpu.dma_semaphore, #tpu.memory_space<semaphore_mem>>)
      %dma_wait3A = arith.constant 0 : i32
      %dma_wait3A_49 = tpu.memref_slice %arg5[%arg0, %add3A_32, %dma_wait3A] : memref<2x10240x128xf32, #tpu.memory_space<hbm>> -> memref<1x128x128xf32, #tpu.memory_space<hbm>>
      %dma_wait3A_50 = tpu.memref_squeeze %dma_wait3A_49 : memref<1x128x128xf32, #tpu.memory_space<hbm>> -> memref<128x128xf32, #tpu.memory_space<hbm>>
      %dma_wait3A_51 = arith.constant 0 : i32
      %dma_wait3A_52 = tpu.memref_slice %arg9[%add3A_30, %dma_wait3A_51] : memref<10240x128xf32, #tpu.memory_space<vmem_shared>> -> memref<128x128xf32, #tpu.memory_space<vmem_shared>>
      tpu.wait_dma2 semaphore(%run_scoped3A : memref<!tpu.dma_semaphore, #tpu.memory_space<semaphore_mem>>) src(%dma_wait3A_52 : memref<128x128xf32, #tpu.memory_space<vmem_shared>>) dst(%dma_wait3A_50 : memref<128x128xf32, #tpu.memory_space<hbm>>)
      tpu.yield
    }) : () -> ()
    %add3A_33 = arith.constant 256 : i32
    %add3A_34 = arith.addi %mul3A_7, %add3A_33 : i32
    %add3A_35 = arith.constant 256 : i32
    %add3A_36 = arith.addi %mul3A_7, %add3A_35 : i32
    "tpu.region"() ({
      %run_scoped3A = tpu.sem_alloc : memref<!tpu.dma_semaphore, #tpu.memory_space<semaphore_mem>>
      %dma_start3A = arith.constant 0 : i32
      %dma_start3A_45 = tpu.memref_slice %arg5[%arg0, %add3A_36, %dma_start3A] : memref<2x10240x128xf32, #tpu.memory_space<hbm>> -> memref<1x128x128xf32, #tpu.memory_space<hbm>>
      %dma_start3A_46 = tpu.memref_squeeze %dma_start3A_45 : memref<1x128x128xf32, #tpu.memory_space<hbm>> -> memref<128x128xf32, #tpu.memory_space<hbm>>
      %dma_start3A_47 = arith.constant 0 : i32
      %dma_start3A_48 = tpu.memref_slice %arg9[%add3A_34, %dma_start3A_47] : memref<10240x128xf32, #tpu.memory_space<vmem_shared>> -> memref<128x128xf32, #tpu.memory_space<vmem_shared>>
      tpu.enqueue_dma source(%dma_start3A_48 : memref<128x128xf32, #tpu.memory_space<vmem_shared>>) target(%dma_start3A_46 : memref<128x128xf32, #tpu.memory_space<hbm>>) target_semaphore(%run_scoped3A : memref<!tpu.dma_semaphore, #tpu.memory_space<semaphore_mem>>)
      %dma_wait3A = arith.constant 0 : i32
      %dma_wait3A_49 = tpu.memref_slice %arg5[%arg0, %add3A_36, %dma_wait3A] : memref<2x10240x128xf32, #tpu.memory_space<hbm>> -> memref<1x128x128xf32, #tpu.memory_space<hbm>>
      %dma_wait3A_50 = tpu.memref_squeeze %dma_wait3A_49 : memref<1x128x128xf32, #tpu.memory_space<hbm>> -> memref<128x128xf32, #tpu.memory_space<hbm>>
      %dma_wait3A_51 = arith.constant 0 : i32
      %dma_wait3A_52 = tpu.memref_slice %arg9[%add3A_34, %dma_wait3A_51] : memref<10240x128xf32, #tpu.memory_space<vmem_shared>> -> memref<128x128xf32, #tpu.memory_space<vmem_shared>>
      tpu.wait_dma2 semaphore(%run_scoped3A : memref<!tpu.dma_semaphore, #tpu.memory_space<semaphore_mem>>) src(%dma_wait3A_52 : memref<128x128xf32, #tpu.memory_space<vmem_shared>>) dst(%dma_wait3A_50 : memref<128x128xf32, #tpu.memory_space<hbm>>)
      tpu.yield
    }) : () -> ()
    %add3A_37 = arith.constant 384 : i32
    %add3A_38 = arith.addi %mul3A_7, %add3A_37 : i32
    %add3A_39 = arith.constant 384 : i32
    %add3A_40 = arith.addi %mul3A_7, %add3A_39 : i32
    "tpu.region"() ({
      %run_scoped3A = tpu.sem_alloc : memref<!tpu.dma_semaphore, #tpu.memory_space<semaphore_mem>>
      %dma_start3A = arith.constant 0 : i32
      %dma_start3A_45 = tpu.memref_slice %arg5[%arg0, %add3A_40, %dma_start3A] : memref<2x10240x128xf32, #tpu.memory_space<hbm>> -> memref<1x128x128xf32, #tpu.memory_space<hbm>>
      %dma_start3A_46 = tpu.memref_squeeze %dma_start3A_45 : memref<1x128x128xf32, #tpu.memory_space<hbm>> -> memref<128x128xf32, #tpu.memory_space<hbm>>
      %dma_start3A_47 = arith.constant 0 : i32
      %dma_start3A_48 = tpu.memref_slice %arg9[%add3A_38, %dma_start3A_47] : memref<10240x128xf32, #tpu.memory_space<vmem_shared>> -> memref<128x128xf32, #tpu.memory_space<vmem_shared>>
      tpu.enqueue_dma source(%dma_start3A_48 : memref<128x128xf32, #tpu.memory_space<vmem_shared>>) target(%dma_start3A_46 : memref<128x128xf32, #tpu.memory_space<hbm>>) target_semaphore(%run_scoped3A : memref<!tpu.dma_semaphore, #tpu.memory_space<semaphore_mem>>)
      %dma_wait3A = arith.constant 0 : i32
      %dma_wait3A_49 = tpu.memref_slice %arg5[%arg0, %add3A_40, %dma_wait3A] : memref<2x10240x128xf32, #tpu.memory_space<hbm>> -> memref<1x128x128xf32, #tpu.memory_space<hbm>>
      %dma_wait3A_50 = tpu.memref_squeeze %dma_wait3A_49 : memref<1x128x128xf32, #tpu.memory_space<hbm>> -> memref<128x128xf32, #tpu.memory_space<hbm>>
      %dma_wait3A_51 = arith.constant 0 : i32
      %dma_wait3A_52 = tpu.memref_slice %arg9[%add3A_38, %dma_wait3A_51] : memref<10240x128xf32, #tpu.memory_space<vmem_shared>> -> memref<128x128xf32, #tpu.memory_space<vmem_shared>>
      tpu.wait_dma2 semaphore(%run_scoped3A : memref<!tpu.dma_semaphore, #tpu.memory_space<semaphore_mem>>) src(%dma_wait3A_52 : memref<128x128xf32, #tpu.memory_space<vmem_shared>>) dst(%dma_wait3A_50 : memref<128x128xf32, #tpu.memory_space<hbm>>)
      tpu.yield
    }) : () -> ()
    %add3A_41 = arith.constant 512 : i32
    %add3A_42 = arith.addi %mul3A_7, %add3A_41 : i32
    %add3A_43 = arith.constant 512 : i32
    %add3A_44 = arith.addi %mul3A_7, %add3A_43 : i32
    "tpu.region"() ({
      %run_scoped3A = tpu.sem_alloc : memref<!tpu.dma_semaphore, #tpu.memory_space<semaphore_mem>>
      %dma_start3A = arith.constant 0 : i32
      %dma_start3A_45 = tpu.memref_slice %arg5[%arg0, %add3A_44, %dma_start3A] : memref<2x10240x128xf32, #tpu.memory_space<hbm>> -> memref<1x128x128xf32, #tpu.memory_space<hbm>>
      %dma_start3A_46 = tpu.memref_squeeze %dma_start3A_45 : memref<1x128x128xf32, #tpu.memory_space<hbm>> -> memref<128x128xf32, #tpu.memory_space<hbm>>
      %dma_start3A_47 = arith.constant 0 : i32
      %dma_start3A_48 = tpu.memref_slice %arg9[%add3A_42, %dma_start3A_47] : memref<10240x128xf32, #tpu.memory_space<vmem_shared>> -> memref<128x128xf32, #tpu.memory_space<vmem_shared>>
      tpu.enqueue_dma source(%dma_start3A_48 : memref<128x128xf32, #tpu.memory_space<vmem_shared>>) target(%dma_start3A_46 : memref<128x128xf32, #tpu.memory_space<hbm>>) target_semaphore(%run_scoped3A : memref<!tpu.dma_semaphore, #tpu.memory_space<semaphore_mem>>)
      %dma_wait3A = arith.constant 0 : i32
      %dma_wait3A_49 = tpu.memref_slice %arg5[%arg0, %add3A_44, %dma_wait3A] : memref<2x10240x128xf32, #tpu.memory_space<hbm>> -> memref<1x128x128xf32, #tpu.memory_space<hbm>>
      %dma_wait3A_50 = tpu.memref_squeeze %dma_wait3A_49 : memref<1x128x128xf32, #tpu.memory_space<hbm>> -> memref<128x128xf32, #tpu.memory_space<hbm>>
      %dma_wait3A_51 = arith.constant 0 : i32
      %dma_wait3A_52 = tpu.memref_slice %arg9[%add3A_42, %dma_wait3A_51] : memref<10240x128xf32, #tpu.memory_space<vmem_shared>> -> memref<128x128xf32, #tpu.memory_space<vmem_shared>>
      tpu.wait_dma2 semaphore(%run_scoped3A : memref<!tpu.dma_semaphore, #tpu.memory_space<semaphore_mem>>) src(%dma_wait3A_52 : memref<128x128xf32, #tpu.memory_space<vmem_shared>>) dst(%dma_wait3A_50 : memref<128x128xf32, #tpu.memory_space<hbm>>)
      tpu.yield
    }) : () -> ()
    return
  }
}

module attributes {stable_mosaic.version = 14 : i64} {
  func.func @_scale_body(%arg0: i32, %arg1: memref<1024x128xf32, #tpu.memory_space<vmem>>, %arg2: memref<32x8x128xf32, #tpu.memory_space<vmem>>, %arg3: memref<128x128xf32, #tpu.memory_space<vmem>>, %arg4: memref<1024x128xf32, #tpu.memory_space<vmem>>, %arg5: memref<8x128xf32, #tpu.memory_space<vmem>>) attributes {dimension_semantics = [#tpu.dimension_semantics<arbitrary>], iteration_bounds = array<i64: 10>, scalar_prefetch = 0 : i64, scratch_operands = 0 : i64, tpu.core_type = #tpu.core_type<tc>, window_params = [{transform_indices = @transform_0, window_bounds = array<i64: 1024, 128>}, {transform_indices = @transform_1, window_bounds = array<i64: 32, 8, 128>}, {pipeline_mode = #tpu.pipeline_mode<synchronous>, transform_indices = @transform_2, window_bounds = array<i64: 128, 128>}, {transform_indices = @transform_3, window_bounds = array<i64: 1024, 128>}, {transform_indices = @transform_4, window_bounds = array<i64: 8, 128>}]} {
    %get3A = arith.constant 0 : index
    %get3A_0 = arith.constant 0 : index
    %get3A_1 = arith.constant 0 : index
    %get3A_2 = vector.load %arg2[%get3A, %get3A_0, %get3A_1] : memref<32x8x128xf32, #tpu.memory_space<vmem>>, vector<32x8x128xf32>
    %reduce_sum3A = arith.constant dense<0.000000e+00> : vector<8x128xf32>
    %reduce_sum3A_3 = vector.multi_reduction <add>, %get3A_2, %reduce_sum3A [0] : vector<32x8x128xf32> to vector<8x128xf32>
    %add3A = arith.constant 1.000000e+00 : f32
    %add3A_4 = vector.broadcast %add3A : f32 to vector<8x128xf32>
    %add3A_5 = arith.addf %reduce_sum3A_3, %add3A_4 : vector<8x128xf32>
    %rsqrt3A = math.rsqrt %add3A_5 : vector<8x128xf32>
    %swap3A = arith.constant 0 : index
    %swap3A_6 = arith.constant 0 : index
    %swap3A_7 = vector.load %arg5[%swap3A, %swap3A_6] : memref<8x128xf32, #tpu.memory_space<vmem>>, vector<8x128xf32>
    tpu.vector_store %arg5[%swap3A, %swap3A_6], %rsqrt3A {strides = array<i32>} : memref<8x128xf32, #tpu.memory_space<vmem>>, vector<8x128xf32>,
    %get3A_8 = arith.constant 0 : index
    %get3A_9 = arith.constant 0 : index
    %get3A_10 = vector.load %arg1[%get3A_8, %get3A_9] : memref<1024x128xf32, #tpu.memory_space<vmem>>, vector<1024x128xf32>
    %get3A_11 = arith.constant 0 : index
    %get3A_12 = arith.constant 0 : index
    %get3A_13 = vector.load %arg3[%get3A_11, %get3A_12] : memref<128x128xf32, #tpu.memory_space<vmem>>, vector<128x128xf32>
    %dot_general3A = arith.constant dense<0.000000e+00> : vector<1024x128xf32>
    %dot_general3A_14 = tpu.matmul %get3A_10, %get3A_13, %dot_general3A {dimension_numbers = #tpu.dot_dimension_numbers<[1], [0], [0], [1], [0, 0, 1, 1], [], []>, transpose_lhs_hint = false} : vector<1024x128xf32>, vector<128x128xf32>, vector<1024x128xf32> -> vector<1024x128xf32>
    %transpose3A = tpu.transpose %rsqrt3A, [1, 0] : vector<8x128xf32> -> vector<128x8xf32>
    %slice3A = vector.extract_strided_slice %dot_general3A_14 {offsets = [0, 0], sizes = [128, 128], strides = [1, 1]} : vector<1024x128xf32> to vector<128x128xf32>
    %slice3A_15 = vector.extract_strided_slice %transpose3A {offsets = [0, 0], sizes = [128, 1], strides = [1, 1]} : vector<128x8xf32> to vector<128x1xf32>
    %mul3A = vector.broadcast %slice3A_15 : vector<128x1xf32> to vector<128x128xf32>
    %mul3A_16 = arith.mulf %slice3A, %mul3A : vector<128x128xf32>
    %swap3A_17 = arith.constant 0 : index
    %swap3A_18 = arith.constant 0 : index
    %swap3A_19 = vector.load %arg4[%swap3A_17, %swap3A_18] : memref<1024x128xf32, #tpu.memory_space<vmem>>, vector<128x128xf32>
    tpu.vector_store %arg4[%swap3A_17, %swap3A_18], %mul3A_16 {strides = array<i32>} : memref<1024x128xf32, #tpu.memory_space<vmem>>, vector<128x128xf32>,
    %slice3A_20 = vector.extract_strided_slice %dot_general3A_14 {offsets = [128, 0], sizes = [128, 128], strides = [1, 1]} : vector<1024x128xf32> to vector<128x128xf32>
    %slice3A_21 = vector.extract_strided_slice %transpose3A {offsets = [0, 1], sizes = [128, 1], strides = [1, 1]} : vector<128x8xf32> to vector<128x1xf32>
    %mul3A_22 = vector.broadcast %slice3A_21 : vector<128x1xf32> to vector<128x128xf32>
    %mul3A_23 = arith.mulf %slice3A_20, %mul3A_22 : vector<128x128xf32>
    %swap3A_24 = arith.constant 128 : index
    %swap3A_25 = arith.constant 0 : index
    %swap3A_26 = vector.load %arg4[%swap3A_24, %swap3A_25] : memref<1024x128xf32, #tpu.memory_space<vmem>>, vector<128x128xf32>
    tpu.vector_store %arg4[%swap3A_24, %swap3A_25], %mul3A_23 {strides = array<i32>} : memref<1024x128xf32, #tpu.memory_space<vmem>>, vector<128x128xf32>,
    %slice3A_27 = vector.extract_strided_slice %dot_general3A_14 {offsets = [256, 0], sizes = [128, 128], strides = [1, 1]} : vector<1024x128xf32> to vector<128x128xf32>
    %slice3A_28 = vector.extract_strided_slice %transpose3A {offsets = [0, 2], sizes = [128, 1], strides = [1, 1]} : vector<128x8xf32> to vector<128x1xf32>
    %mul3A_29 = vector.broadcast %slice3A_28 : vector<128x1xf32> to vector<128x128xf32>
    %mul3A_30 = arith.mulf %slice3A_27, %mul3A_29 : vector<128x128xf32>
    %swap3A_31 = arith.constant 256 : index
    %swap3A_32 = arith.constant 0 : index
    %swap3A_33 = vector.load %arg4[%swap3A_31, %swap3A_32] : memref<1024x128xf32, #tpu.memory_space<vmem>>, vector<128x128xf32>
    tpu.vector_store %arg4[%swap3A_31, %swap3A_32], %mul3A_30 {strides = array<i32>} : memref<1024x128xf32, #tpu.memory_space<vmem>>, vector<128x128xf32>,
    %slice3A_34 = vector.extract_strided_slice %dot_general3A_14 {offsets = [384, 0], sizes = [128, 128], strides = [1, 1]} : vector<1024x128xf32> to vector<128x128xf32>
    %slice3A_35 = vector.extract_strided_slice %transpose3A {offsets = [0, 3], sizes = [128, 1], strides = [1, 1]} : vector<128x8xf32> to vector<128x1xf32>
    %mul3A_36 = vector.broadcast %slice3A_35 : vector<128x1xf32> to vector<128x128xf32>
    %mul3A_37 = arith.mulf %slice3A_34, %mul3A_36 : vector<128x128xf32>
    %swap3A_38 = arith.constant 384 : index
    %swap3A_39 = arith.constant 0 : index
    %swap3A_40 = vector.load %arg4[%swap3A_38, %swap3A_39] : memref<1024x128xf32, #tpu.memory_space<vmem>>, vector<128x128xf32>
    tpu.vector_store %arg4[%swap3A_38, %swap3A_39], %mul3A_37 {strides = array<i32>} : memref<1024x128xf32, #tpu.memory_space<vmem>>, vector<128x128xf32>,
    %slice3A_41 = vector.extract_strided_slice %dot_general3A_14 {offsets = [512, 0], sizes = [128, 128], strides = [1, 1]} : vector<1024x128xf32> to vector<128x128xf32>
    %slice3A_42 = vector.extract_strided_slice %transpose3A {offsets = [0, 4], sizes = [128, 1], strides = [1, 1]} : vector<128x8xf32> to vector<128x1xf32>
    %mul3A_43 = vector.broadcast %slice3A_42 : vector<128x1xf32> to vector<128x128xf32>
    %mul3A_44 = arith.mulf %slice3A_41, %mul3A_43 : vector<128x128xf32>
    %swap3A_45 = arith.constant 512 : index
    %swap3A_46 = arith.constant 0 : index
    %swap3A_47 = vector.load %arg4[%swap3A_45, %swap3A_46] : memref<1024x128xf32, #tpu.memory_space<vmem>>, vector<128x128xf32>
    tpu.vector_store %arg4[%swap3A_45, %swap3A_46], %mul3A_44 {strides = array<i32>} : memref<1024x128xf32, #tpu.memory_space<vmem>>, vector<128x128xf32>,
    %slice3A_48 = vector.extract_strided_slice %dot_general3A_14 {offsets = [640, 0], sizes = [128, 128], strides = [1, 1]} : vector<1024x128xf32> to vector<128x128xf32>
    %slice3A_49 = vector.extract_strided_slice %transpose3A {offsets = [0, 5], sizes = [128, 1], strides = [1, 1]} : vector<128x8xf32> to vector<128x1xf32>
    %mul3A_50 = vector.broadcast %slice3A_49 : vector<128x1xf32> to vector<128x128xf32>
    %mul3A_51 = arith.mulf %slice3A_48, %mul3A_50 : vector<128x128xf32>
    %swap3A_52 = arith.constant 640 : index
    %swap3A_53 = arith.constant 0 : index
    %swap3A_54 = vector.load %arg4[%swap3A_52, %swap3A_53] : memref<1024x128xf32, #tpu.memory_space<vmem>>, vector<128x128xf32>
    tpu.vector_store %arg4[%swap3A_52, %swap3A_53], %mul3A_51 {strides = array<i32>} : memref<1024x128xf32, #tpu.memory_space<vmem>>, vector<128x128xf32>,
    %slice3A_55 = vector.extract_strided_slice %dot_general3A_14 {offsets = [768, 0], sizes = [128, 128], strides = [1, 1]} : vector<1024x128xf32> to vector<128x128xf32>
    %slice3A_56 = vector.extract_strided_slice %transpose3A {offsets = [0, 6], sizes = [128, 1], strides = [1, 1]} : vector<128x8xf32> to vector<128x1xf32>
    %mul3A_57 = vector.broadcast %slice3A_56 : vector<128x1xf32> to vector<128x128xf32>
    %mul3A_58 = arith.mulf %slice3A_55, %mul3A_57 : vector<128x128xf32>
    %swap3A_59 = arith.constant 768 : index
    %swap3A_60 = arith.constant 0 : index
    %swap3A_61 = vector.load %arg4[%swap3A_59, %swap3A_60] : memref<1024x128xf32, #tpu.memory_space<vmem>>, vector<128x128xf32>
    tpu.vector_store %arg4[%swap3A_59, %swap3A_60], %mul3A_58 {strides = array<i32>} : memref<1024x128xf32, #tpu.memory_space<vmem>>, vector<128x128xf32>,
    %slice3A_62 = vector.extract_strided_slice %dot_general3A_14 {offsets = [896, 0], sizes = [128, 128], strides = [1, 1]} : vector<1024x128xf32> to vector<128x128xf32>
    %slice3A_63 = vector.extract_strided_slice %transpose3A {offsets = [0, 7], sizes = [128, 1], strides = [1, 1]} : vector<128x8xf32> to vector<128x1xf32>
    %mul3A_64 = vector.broadcast %slice3A_63 : vector<128x1xf32> to vector<128x128xf32>
    %mul3A_65 = arith.mulf %slice3A_62, %mul3A_64 : vector<128x128xf32>
    %swap3A_66 = arith.constant 896 : index
    %swap3A_67 = arith.constant 0 : index
    %swap3A_68 = vector.load %arg4[%swap3A_66, %swap3A_67] : memref<1024x128xf32, #tpu.memory_space<vmem>>, vector<128x128xf32>
    tpu.vector_store %arg4[%swap3A_66, %swap3A_67], %mul3A_65 {strides = array<i32>} : memref<1024x128xf32, #tpu.memory_space<vmem>>, vector<128x128xf32>,
    return
  }
  func.func @transform_0(%arg0: i32) -> (i32, i32) {
    %c0_i32 = arith.constant 0 : i32
    %c0_i32_0 = arith.constant 0 : i32
    return %arg0, %c0_i32 : i32, i32
  }
  func.func @transform_1(%arg0: i32) -> (i32, i32, i32) {
    %c0_i32 = arith.constant 0 : i32
    %c0_i32_0 = arith.constant 0 : i32
    %c0_i32_1 = arith.constant 0 : i32
    return %c0_i32, %arg0, %c0_i32_0 : i32, i32, i32
  }
  func.func @transform_2(%arg0: i32) -> (i32, i32) {
    %c0_i32 = arith.constant 0 : i32
    %c0_i32_0 = arith.constant 0 : i32
    %c0_i32_1 = arith.constant 0 : i32
    return %c0_i32, %c0_i32_0 : i32, i32
  }
  func.func @transform_3(%arg0: i32) -> (i32, i32) {
    %c0_i32 = arith.constant 0 : i32
    %c0_i32_0 = arith.constant 0 : i32
    return %arg0, %c0_i32 : i32, i32
  }
  func.func @transform_4(%arg0: i32) -> (i32, i32) {
    %c0_i32 = arith.constant 0 : i32
    %c0_i32_0 = arith.constant 0 : i32
    return %arg0, %c0_i32 : i32, i32
  }
}

module attributes {stable_mosaic.version = 14 : i64} {
  func.func @_pool_body(%arg0: i32, %arg1: memref<2x1024x128xf32, #tpu.memory_space<vmem>>, %arg2: memref<1024x128xf32, #tpu.memory_space<vmem>>, %arg3: memref<8x128xf32, #tpu.memory_space<vmem>>, %arg4: memref<8x128xi32, #tpu.memory_space<vmem>>, %arg5: memref<1x128xf32, #tpu.memory_space<vmem>>, %arg6: memref<128x128xf32, #tpu.memory_space<vmem>>, %arg7: memref<1x128xf32, #tpu.memory_space<vmem>>, %arg8: memref<128x128xf32, #tpu.memory_space<vmem>>, %arg9: memref<1x1xf32, #tpu.memory_space<vmem>>, %arg10: memref<1x128xf32, #tpu.memory_space<vmem>>, %arg11: memref<128x128xf32, #tpu.memory_space<vmem>>, %arg12: memref<1x128xf32, #tpu.memory_space<vmem>>) attributes {dimension_semantics = [#tpu.dimension_semantics<arbitrary>], iteration_bounds = array<i64: 10>, scalar_prefetch = 0 : i64, scratch_operands = 2 : i64, tpu.core_type = #tpu.core_type<tc>, window_params = [{transform_indices = @transform_0, window_bounds = array<i64: 2, 1024, 128>}, {transform_indices = @transform_1, window_bounds = array<i64: 1024, 128>}, {transform_indices = @transform_2, window_bounds = array<i64: 8, 128>}, {transform_indices = @transform_3, window_bounds = array<i64: 8, 128>}, {pipeline_mode = #tpu.pipeline_mode<synchronous>, transform_indices = @transform_4, window_bounds = array<i64: 1, 128>}, {pipeline_mode = #tpu.pipeline_mode<synchronous>, transform_indices = @transform_5, window_bounds = array<i64: 128, 128>}, {pipeline_mode = #tpu.pipeline_mode<synchronous>, transform_indices = @transform_6, window_bounds = array<i64: 1, 128>}, {pipeline_mode = #tpu.pipeline_mode<synchronous>, transform_indices = @transform_7, window_bounds = array<i64: 128, 128>}, {pipeline_mode = #tpu.pipeline_mode<synchronous>, transform_indices = @transform_8, window_bounds = array<i64: 1, 1>}, {pipeline_mode = #tpu.pipeline_mode<synchronous>, transform_indices = @transform_9, window_bounds = array<i64: 1, 128>}]} {
    %eq3A = arith.constant 0 : i32
    %eq3A_0 = arith.cmpi eq, %arg0, %eq3A : i32
    %convert_element_type3A = arith.extui %eq3A_0 : i1 to i32
    %cond3A = arith.constant 0 : i32
    %cond3A_1 = arith.cmpi ne, %convert_element_type3A, %cond3A : i32
    scf.if %cond3A_1 {
      %broadcast_in_dim3A_203 = arith.constant 0.000000e+00 : f32
      %broadcast_in_dim3A_204 = vector.broadcast %broadcast_in_dim3A_203 : f32 to vector<128x128xf32>
      %swap3A_205 = arith.constant 0 : index
      %swap3A_206 = arith.constant 0 : index
      %swap3A_207 = vector.load %arg11[%swap3A_205, %swap3A_206] : memref<128x128xf32, #tpu.memory_space<vmem>>, vector<128x128xf32>
      tpu.vector_store %arg11[%swap3A_205, %swap3A_206], %broadcast_in_dim3A_204 {strides = array<i32>} : memref<128x128xf32, #tpu.memory_space<vmem>>, vector<128x128xf32>,
      %broadcast_in_dim3A_208 = arith.constant 0.000000e+00 : f32
      %broadcast_in_dim3A_209 = vector.broadcast %broadcast_in_dim3A_208 : f32 to vector<1x128xf32>
      %swap3A_210 = arith.constant 0 : index
      %swap3A_211 = arith.constant 0 : index
      %swap3A_212 = vector.load %arg12[%swap3A_210, %swap3A_211] : memref<1x128xf32, #tpu.memory_space<vmem>>, vector<1x128xf32>
      tpu.vector_store %arg12[%swap3A_210, %swap3A_211], %broadcast_in_dim3A_209 {strides = array<i32>} : memref<1x128xf32, #tpu.memory_space<vmem>>, vector<1x128xf32>,
    } else {
    }
    %get3A = arith.constant 0 : index
    %get3A_2 = arith.constant 0 : index
    %get3A_3 = arith.constant 0 : index
    %get3A_4 = vector.load %arg1[%get3A, %get3A_2, %get3A_3] : memref<2x1024x128xf32, #tpu.memory_space<vmem>>, vector<1x1024x128xf32>
    %get3A_5 = vector.shape_cast %get3A_4 : vector<1x1024x128xf32> to vector<1024x128xf32>
    %get3A_6 = arith.constant 1 : index
    %get3A_7 = arith.constant 0 : index
    %get3A_8 = arith.constant 0 : index
    %get3A_9 = vector.load %arg1[%get3A_6, %get3A_7, %get3A_8] : memref<2x1024x128xf32, #tpu.memory_space<vmem>>, vector<1x1024x128xf32>
    %get3A_10 = vector.shape_cast %get3A_9 : vector<1x1024x128xf32> to vector<1024x128xf32>
    %add3A = arith.addf %get3A_5, %get3A_10 : vector<1024x128xf32>
    %get3A_11 = arith.constant 0 : index
    %get3A_12 = arith.constant 0 : index
    %get3A_13 = vector.load %arg2[%get3A_11, %get3A_12] : memref<1024x128xf32, #tpu.memory_space<vmem>>, vector<1024x128xf32>
    %add3A_14 = arith.addf %add3A, %get3A_13 : vector<1024x128xf32>
    %get3A_15 = arith.constant 0 : index
    %get3A_16 = arith.constant 0 : index
    %get3A_17 = vector.load %arg3[%get3A_15, %get3A_16] : memref<8x128xf32, #tpu.memory_space<vmem>>, vector<8x128xf32>
    %transpose3A = tpu.transpose %get3A_17, [1, 0] : vector<8x128xf32> -> vector<128x8xf32>
    %get3A_18 = arith.constant 0 : index
    %get3A_19 = arith.constant 0 : index
    %get3A_20 = vector.load %arg4[%get3A_18, %get3A_19] : memref<8x128xi32, #tpu.memory_space<vmem>>, vector<8x128xi32>
    %transpose3A_21 = tpu.transpose %get3A_20, [1, 0] : vector<8x128xi32> -> vector<128x8xi32>
    %iota3A = tpu.iota {dimensions = array<i32: 1>} : vector<128x128xi32>
    %get3A_22 = arith.constant 0 : index
    %get3A_23 = arith.constant 0 : index
    %get3A_24 = vector.load %arg5[%get3A_22, %get3A_23] : memref<1x128xf32, #tpu.memory_space<vmem>>, vector<1x128xf32>
    %get3A_25 = arith.constant 0 : index
    %get3A_26 = arith.constant 0 : index
    %get3A_27 = vector.load %arg11[%get3A_25, %get3A_26] : memref<128x128xf32, #tpu.memory_space<vmem>>, vector<128x128xf32>
    %get3A_28 = arith.constant 0 : index
    %get3A_29 = arith.constant 0 : index
    %get3A_30 = vector.load %arg12[%get3A_28, %get3A_29] : memref<1x128xf32, #tpu.memory_space<vmem>>, vector<1x128xf32>
    %slice3A = vector.extract_strided_slice %add3A_14 {offsets = [0, 0], sizes = [128, 128], strides = [1, 1]} : vector<1024x128xf32> to vector<128x128xf32>
    %slice3A_31 = vector.extract_strided_slice %transpose3A {offsets = [0, 0], sizes = [128, 1], strides = [1, 1]} : vector<128x8xf32> to vector<128x1xf32>
    %mul3A = vector.broadcast %slice3A_31 : vector<128x1xf32> to vector<128x128xf32>
    %mul3A_32 = arith.mulf %slice3A, %mul3A : vector<128x128xf32>
    %add3A_33 = vector.broadcast %get3A_24 : vector<1x128xf32> to vector<128x128xf32>
    %add3A_34 = arith.addf %mul3A_32, %add3A_33 : vector<128x128xf32>
    %max3A = arith.constant 0.000000e+00 : f32
    %max3A_35 = vector.broadcast %max3A : f32 to vector<128x128xf32>
    %max3A_36 = arith.maximumf %add3A_34, %max3A_35 : vector<128x128xf32>
    %slice3A_37 = vector.extract_strided_slice %transpose3A_21 {offsets = [0, 0], sizes = [128, 1], strides = [1, 1]} : vector<128x8xi32> to vector<128x1xi32>
    %eq3A_38 = vector.broadcast %slice3A_37 : vector<128x1xi32> to vector<128x128xi32>
    %eq3A_39 = arith.cmpi eq, %eq3A_38, %iota3A : vector<128x128xi32>
    %convert_element_type3A_40 = arith.extui %eq3A_39 : vector<128x128xi1> to vector<128x128xi32>
    %convert_element_type3A_41 = arith.sitofp %convert_element_type3A_40 : vector<128x128xi32> to vector<128x128xf32>
    %dot_general3A = arith.constant dense<0.000000e+00> : vector<128x128xf32>
    %dot_general3A_42 = tpu.matmul %convert_element_type3A_41, %max3A_36, %dot_general3A {dimension_numbers = #tpu.dot_dimension_numbers<[0], [0], [1], [1], [0, 1, 1, 1], [], []>, precision = #tpu.contract_precision<fp32>, transpose_lhs_hint = false} : vector<128x128xf32>, vector<128x128xf32>, vector<128x128xf32> -> vector<128x128xf32>
    %add3A_43 = arith.addf %get3A_27, %dot_general3A_42 : vector<128x128xf32>
    %reduce_sum3A = arith.constant dense<0.000000e+00> : vector<128xf32>
    %reduce_sum3A_44 = vector.multi_reduction <add>, %convert_element_type3A_41, %reduce_sum3A [0] : vector<128x128xf32> to vector<128xf32>
    %broadcast_in_dim3A = vector.shape_cast %reduce_sum3A_44 : vector<128xf32> to vector<1x128xf32>
    %add3A_45 = arith.addf %get3A_30, %broadcast_in_dim3A : vector<1x128xf32>
    %slice3A_46 = vector.extract_strided_slice %add3A_14 {offsets = [128, 0], sizes = [128, 128], strides = [1, 1]} : vector<1024x128xf32> to vector<128x128xf32>
    %slice3A_47 = vector.extract_strided_slice %transpose3A {offsets = [0, 1], sizes = [128, 1], strides = [1, 1]} : vector<128x8xf32> to vector<128x1xf32>
    %mul3A_48 = vector.broadcast %slice3A_47 : vector<128x1xf32> to vector<128x128xf32>
    %mul3A_49 = arith.mulf %slice3A_46, %mul3A_48 : vector<128x128xf32>
    %add3A_50 = vector.broadcast %get3A_24 : vector<1x128xf32> to vector<128x128xf32>
    %add3A_51 = arith.addf %mul3A_49, %add3A_50 : vector<128x128xf32>
    %max3A_52 = arith.constant 0.000000e+00 : f32
    %max3A_53 = vector.broadcast %max3A_52 : f32 to vector<128x128xf32>
    %max3A_54 = arith.maximumf %add3A_51, %max3A_53 : vector<128x128xf32>
    %slice3A_55 = vector.extract_strided_slice %transpose3A_21 {offsets = [0, 1], sizes = [128, 1], strides = [1, 1]} : vector<128x8xi32> to vector<128x1xi32>
    %eq3A_56 = vector.broadcast %slice3A_55 : vector<128x1xi32> to vector<128x128xi32>
    %eq3A_57 = arith.cmpi eq, %eq3A_56, %iota3A : vector<128x128xi32>
    %convert_element_type3A_58 = arith.extui %eq3A_57 : vector<128x128xi1> to vector<128x128xi32>
    %convert_element_type3A_59 = arith.sitofp %convert_element_type3A_58 : vector<128x128xi32> to vector<128x128xf32>
    %dot_general3A_60 = arith.constant dense<0.000000e+00> : vector<128x128xf32>
    %dot_general3A_61 = tpu.matmul %convert_element_type3A_59, %max3A_54, %dot_general3A_60 {dimension_numbers = #tpu.dot_dimension_numbers<[0], [0], [1], [1], [0, 1, 1, 1], [], []>, precision = #tpu.contract_precision<fp32>, transpose_lhs_hint = false} : vector<128x128xf32>, vector<128x128xf32>, vector<128x128xf32> -> vector<128x128xf32>
    %add3A_62 = arith.addf %add3A_43, %dot_general3A_61 : vector<128x128xf32>
    %reduce_sum3A_63 = arith.constant dense<0.000000e+00> : vector<128xf32>
    %reduce_sum3A_64 = vector.multi_reduction <add>, %convert_element_type3A_59, %reduce_sum3A_63 [0] : vector<128x128xf32> to vector<128xf32>
    %broadcast_in_dim3A_65 = vector.shape_cast %reduce_sum3A_64 : vector<128xf32> to vector<1x128xf32>
    %add3A_66 = arith.addf %add3A_45, %broadcast_in_dim3A_65 : vector<1x128xf32>
    %slice3A_67 = vector.extract_strided_slice %add3A_14 {offsets = [256, 0], sizes = [128, 128], strides = [1, 1]} : vector<1024x128xf32> to vector<128x128xf32>
    %slice3A_68 = vector.extract_strided_slice %transpose3A {offsets = [0, 2], sizes = [128, 1], strides = [1, 1]} : vector<128x8xf32> to vector<128x1xf32>
    %mul3A_69 = vector.broadcast %slice3A_68 : vector<128x1xf32> to vector<128x128xf32>
    %mul3A_70 = arith.mulf %slice3A_67, %mul3A_69 : vector<128x128xf32>
    %add3A_71 = vector.broadcast %get3A_24 : vector<1x128xf32> to vector<128x128xf32>
    %add3A_72 = arith.addf %mul3A_70, %add3A_71 : vector<128x128xf32>
    %max3A_73 = arith.constant 0.000000e+00 : f32
    %max3A_74 = vector.broadcast %max3A_73 : f32 to vector<128x128xf32>
    %max3A_75 = arith.maximumf %add3A_72, %max3A_74 : vector<128x128xf32>
    %slice3A_76 = vector.extract_strided_slice %transpose3A_21 {offsets = [0, 2], sizes = [128, 1], strides = [1, 1]} : vector<128x8xi32> to vector<128x1xi32>
    %eq3A_77 = vector.broadcast %slice3A_76 : vector<128x1xi32> to vector<128x128xi32>
    %eq3A_78 = arith.cmpi eq, %eq3A_77, %iota3A : vector<128x128xi32>
    %convert_element_type3A_79 = arith.extui %eq3A_78 : vector<128x128xi1> to vector<128x128xi32>
    %convert_element_type3A_80 = arith.sitofp %convert_element_type3A_79 : vector<128x128xi32> to vector<128x128xf32>
    %dot_general3A_81 = arith.constant dense<0.000000e+00> : vector<128x128xf32>
    %dot_general3A_82 = tpu.matmul %convert_element_type3A_80, %max3A_75, %dot_general3A_81 {dimension_numbers = #tpu.dot_dimension_numbers<[0], [0], [1], [1], [0, 1, 1, 1], [], []>, precision = #tpu.contract_precision<fp32>, transpose_lhs_hint = false} : vector<128x128xf32>, vector<128x128xf32>, vector<128x128xf32> -> vector<128x128xf32>
    %add3A_83 = arith.addf %add3A_62, %dot_general3A_82 : vector<128x128xf32>
    %reduce_sum3A_84 = arith.constant dense<0.000000e+00> : vector<128xf32>
    %reduce_sum3A_85 = vector.multi_reduction <add>, %convert_element_type3A_80, %reduce_sum3A_84 [0] : vector<128x128xf32> to vector<128xf32>
    %broadcast_in_dim3A_86 = vector.shape_cast %reduce_sum3A_85 : vector<128xf32> to vector<1x128xf32>
    %add3A_87 = arith.addf %add3A_66, %broadcast_in_dim3A_86 : vector<1x128xf32>
    %slice3A_88 = vector.extract_strided_slice %add3A_14 {offsets = [384, 0], sizes = [128, 128], strides = [1, 1]} : vector<1024x128xf32> to vector<128x128xf32>
    %slice3A_89 = vector.extract_strided_slice %transpose3A {offsets = [0, 3], sizes = [128, 1], strides = [1, 1]} : vector<128x8xf32> to vector<128x1xf32>
    %mul3A_90 = vector.broadcast %slice3A_89 : vector<128x1xf32> to vector<128x128xf32>
    %mul3A_91 = arith.mulf %slice3A_88, %mul3A_90 : vector<128x128xf32>
    %add3A_92 = vector.broadcast %get3A_24 : vector<1x128xf32> to vector<128x128xf32>
    %add3A_93 = arith.addf %mul3A_91, %add3A_92 : vector<128x128xf32>
    %max3A_94 = arith.constant 0.000000e+00 : f32
    %max3A_95 = vector.broadcast %max3A_94 : f32 to vector<128x128xf32>
    %max3A_96 = arith.maximumf %add3A_93, %max3A_95 : vector<128x128xf32>
    %slice3A_97 = vector.extract_strided_slice %transpose3A_21 {offsets = [0, 3], sizes = [128, 1], strides = [1, 1]} : vector<128x8xi32> to vector<128x1xi32>
    %eq3A_98 = vector.broadcast %slice3A_97 : vector<128x1xi32> to vector<128x128xi32>
    %eq3A_99 = arith.cmpi eq, %eq3A_98, %iota3A : vector<128x128xi32>
    %convert_element_type3A_100 = arith.extui %eq3A_99 : vector<128x128xi1> to vector<128x128xi32>
    %convert_element_type3A_101 = arith.sitofp %convert_element_type3A_100 : vector<128x128xi32> to vector<128x128xf32>
    %dot_general3A_102 = arith.constant dense<0.000000e+00> : vector<128x128xf32>
    %dot_general3A_103 = tpu.matmul %convert_element_type3A_101, %max3A_96, %dot_general3A_102 {dimension_numbers = #tpu.dot_dimension_numbers<[0], [0], [1], [1], [0, 1, 1, 1], [], []>, precision = #tpu.contract_precision<fp32>, transpose_lhs_hint = false} : vector<128x128xf32>, vector<128x128xf32>, vector<128x128xf32> -> vector<128x128xf32>
    %add3A_104 = arith.addf %add3A_83, %dot_general3A_103 : vector<128x128xf32>
    %reduce_sum3A_105 = arith.constant dense<0.000000e+00> : vector<128xf32>
    %reduce_sum3A_106 = vector.multi_reduction <add>, %convert_element_type3A_101, %reduce_sum3A_105 [0] : vector<128x128xf32> to vector<128xf32>
    %broadcast_in_dim3A_107 = vector.shape_cast %reduce_sum3A_106 : vector<128xf32> to vector<1x128xf32>
    %add3A_108 = arith.addf %add3A_87, %broadcast_in_dim3A_107 : vector<1x128xf32>
    %slice3A_109 = vector.extract_strided_slice %add3A_14 {offsets = [512, 0], sizes = [128, 128], strides = [1, 1]} : vector<1024x128xf32> to vector<128x128xf32>
    %slice3A_110 = vector.extract_strided_slice %transpose3A {offsets = [0, 4], sizes = [128, 1], strides = [1, 1]} : vector<128x8xf32> to vector<128x1xf32>
    %mul3A_111 = vector.broadcast %slice3A_110 : vector<128x1xf32> to vector<128x128xf32>
    %mul3A_112 = arith.mulf %slice3A_109, %mul3A_111 : vector<128x128xf32>
    %add3A_113 = vector.broadcast %get3A_24 : vector<1x128xf32> to vector<128x128xf32>
    %add3A_114 = arith.addf %mul3A_112, %add3A_113 : vector<128x128xf32>
    %max3A_115 = arith.constant 0.000000e+00 : f32
    %max3A_116 = vector.broadcast %max3A_115 : f32 to vector<128x128xf32>
    %max3A_117 = arith.maximumf %add3A_114, %max3A_116 : vector<128x128xf32>
    %slice3A_118 = vector.extract_strided_slice %transpose3A_21 {offsets = [0, 4], sizes = [128, 1], strides = [1, 1]} : vector<128x8xi32> to vector<128x1xi32>
    %eq3A_119 = vector.broadcast %slice3A_118 : vector<128x1xi32> to vector<128x128xi32>
    %eq3A_120 = arith.cmpi eq, %eq3A_119, %iota3A : vector<128x128xi32>
    %convert_element_type3A_121 = arith.extui %eq3A_120 : vector<128x128xi1> to vector<128x128xi32>
    %convert_element_type3A_122 = arith.sitofp %convert_element_type3A_121 : vector<128x128xi32> to vector<128x128xf32>
    %dot_general3A_123 = arith.constant dense<0.000000e+00> : vector<128x128xf32>
    %dot_general3A_124 = tpu.matmul %convert_element_type3A_122, %max3A_117, %dot_general3A_123 {dimension_numbers = #tpu.dot_dimension_numbers<[0], [0], [1], [1], [0, 1, 1, 1], [], []>, precision = #tpu.contract_precision<fp32>, transpose_lhs_hint = false} : vector<128x128xf32>, vector<128x128xf32>, vector<128x128xf32> -> vector<128x128xf32>
    %add3A_125 = arith.addf %add3A_104, %dot_general3A_124 : vector<128x128xf32>
    %reduce_sum3A_126 = arith.constant dense<0.000000e+00> : vector<128xf32>
    %reduce_sum3A_127 = vector.multi_reduction <add>, %convert_element_type3A_122, %reduce_sum3A_126 [0] : vector<128x128xf32> to vector<128xf32>
    %broadcast_in_dim3A_128 = vector.shape_cast %reduce_sum3A_127 : vector<128xf32> to vector<1x128xf32>
    %add3A_129 = arith.addf %add3A_108, %broadcast_in_dim3A_128 : vector<1x128xf32>
    %slice3A_130 = vector.extract_strided_slice %add3A_14 {offsets = [640, 0], sizes = [128, 128], strides = [1, 1]} : vector<1024x128xf32> to vector<128x128xf32>
    %slice3A_131 = vector.extract_strided_slice %transpose3A {offsets = [0, 5], sizes = [128, 1], strides = [1, 1]} : vector<128x8xf32> to vector<128x1xf32>
    %mul3A_132 = vector.broadcast %slice3A_131 : vector<128x1xf32> to vector<128x128xf32>
    %mul3A_133 = arith.mulf %slice3A_130, %mul3A_132 : vector<128x128xf32>
    %add3A_134 = vector.broadcast %get3A_24 : vector<1x128xf32> to vector<128x128xf32>
    %add3A_135 = arith.addf %mul3A_133, %add3A_134 : vector<128x128xf32>
    %max3A_136 = arith.constant 0.000000e+00 : f32
    %max3A_137 = vector.broadcast %max3A_136 : f32 to vector<128x128xf32>
    %max3A_138 = arith.maximumf %add3A_135, %max3A_137 : vector<128x128xf32>
    %slice3A_139 = vector.extract_strided_slice %transpose3A_21 {offsets = [0, 5], sizes = [128, 1], strides = [1, 1]} : vector<128x8xi32> to vector<128x1xi32>
    %eq3A_140 = vector.broadcast %slice3A_139 : vector<128x1xi32> to vector<128x128xi32>
    %eq3A_141 = arith.cmpi eq, %eq3A_140, %iota3A : vector<128x128xi32>
    %convert_element_type3A_142 = arith.extui %eq3A_141 : vector<128x128xi1> to vector<128x128xi32>
    %convert_element_type3A_143 = arith.sitofp %convert_element_type3A_142 : vector<128x128xi32> to vector<128x128xf32>
    %dot_general3A_144 = arith.constant dense<0.000000e+00> : vector<128x128xf32>
    %dot_general3A_145 = tpu.matmul %convert_element_type3A_143, %max3A_138, %dot_general3A_144 {dimension_numbers = #tpu.dot_dimension_numbers<[0], [0], [1], [1], [0, 1, 1, 1], [], []>, precision = #tpu.contract_precision<fp32>, transpose_lhs_hint = false} : vector<128x128xf32>, vector<128x128xf32>, vector<128x128xf32> -> vector<128x128xf32>
    %add3A_146 = arith.addf %add3A_125, %dot_general3A_145 : vector<128x128xf32>
    %reduce_sum3A_147 = arith.constant dense<0.000000e+00> : vector<128xf32>
    %reduce_sum3A_148 = vector.multi_reduction <add>, %convert_element_type3A_143, %reduce_sum3A_147 [0] : vector<128x128xf32> to vector<128xf32>
    %broadcast_in_dim3A_149 = vector.shape_cast %reduce_sum3A_148 : vector<128xf32> to vector<1x128xf32>
    %add3A_150 = arith.addf %add3A_129, %broadcast_in_dim3A_149 : vector<1x128xf32>
    %slice3A_151 = vector.extract_strided_slice %add3A_14 {offsets = [768, 0], sizes = [128, 128], strides = [1, 1]} : vector<1024x128xf32> to vector<128x128xf32>
    %slice3A_152 = vector.extract_strided_slice %transpose3A {offsets = [0, 6], sizes = [128, 1], strides = [1, 1]} : vector<128x8xf32> to vector<128x1xf32>
    %mul3A_153 = vector.broadcast %slice3A_152 : vector<128x1xf32> to vector<128x128xf32>
    %mul3A_154 = arith.mulf %slice3A_151, %mul3A_153 : vector<128x128xf32>
    %add3A_155 = vector.broadcast %get3A_24 : vector<1x128xf32> to vector<128x128xf32>
    %add3A_156 = arith.addf %mul3A_154, %add3A_155 : vector<128x128xf32>
    %max3A_157 = arith.constant 0.000000e+00 : f32
    %max3A_158 = vector.broadcast %max3A_157 : f32 to vector<128x128xf32>
    %max3A_159 = arith.maximumf %add3A_156, %max3A_158 : vector<128x128xf32>
    %slice3A_160 = vector.extract_strided_slice %transpose3A_21 {offsets = [0, 6], sizes = [128, 1], strides = [1, 1]} : vector<128x8xi32> to vector<128x1xi32>
    %eq3A_161 = vector.broadcast %slice3A_160 : vector<128x1xi32> to vector<128x128xi32>
    %eq3A_162 = arith.cmpi eq, %eq3A_161, %iota3A : vector<128x128xi32>
    %convert_element_type3A_163 = arith.extui %eq3A_162 : vector<128x128xi1> to vector<128x128xi32>
    %convert_element_type3A_164 = arith.sitofp %convert_element_type3A_163 : vector<128x128xi32> to vector<128x128xf32>
    %dot_general3A_165 = arith.constant dense<0.000000e+00> : vector<128x128xf32>
    %dot_general3A_166 = tpu.matmul %convert_element_type3A_164, %max3A_159, %dot_general3A_165 {dimension_numbers = #tpu.dot_dimension_numbers<[0], [0], [1], [1], [0, 1, 1, 1], [], []>, precision = #tpu.contract_precision<fp32>, transpose_lhs_hint = false} : vector<128x128xf32>, vector<128x128xf32>, vector<128x128xf32> -> vector<128x128xf32>
    %add3A_167 = arith.addf %add3A_146, %dot_general3A_166 : vector<128x128xf32>
    %reduce_sum3A_168 = arith.constant dense<0.000000e+00> : vector<128xf32>
    %reduce_sum3A_169 = vector.multi_reduction <add>, %convert_element_type3A_164, %reduce_sum3A_168 [0] : vector<128x128xf32> to vector<128xf32>
    %broadcast_in_dim3A_170 = vector.shape_cast %reduce_sum3A_169 : vector<128xf32> to vector<1x128xf32>
    %add3A_171 = arith.addf %add3A_150, %broadcast_in_dim3A_170 : vector<1x128xf32>
    %slice3A_172 = vector.extract_strided_slice %add3A_14 {offsets = [896, 0], sizes = [128, 128], strides = [1, 1]} : vector<1024x128xf32> to vector<128x128xf32>
    %slice3A_173 = vector.extract_strided_slice %transpose3A {offsets = [0, 7], sizes = [128, 1], strides = [1, 1]} : vector<128x8xf32> to vector<128x1xf32>
    %mul3A_174 = vector.broadcast %slice3A_173 : vector<128x1xf32> to vector<128x128xf32>
    %mul3A_175 = arith.mulf %slice3A_172, %mul3A_174 : vector<128x128xf32>
    %add3A_176 = vector.broadcast %get3A_24 : vector<1x128xf32> to vector<128x128xf32>
    %add3A_177 = arith.addf %mul3A_175, %add3A_176 : vector<128x128xf32>
    %max3A_178 = arith.constant 0.000000e+00 : f32
    %max3A_179 = vector.broadcast %max3A_178 : f32 to vector<128x128xf32>
    %max3A_180 = arith.maximumf %add3A_177, %max3A_179 : vector<128x128xf32>
    %slice3A_181 = vector.extract_strided_slice %transpose3A_21 {offsets = [0, 7], sizes = [128, 1], strides = [1, 1]} : vector<128x8xi32> to vector<128x1xi32>
    %eq3A_182 = vector.broadcast %slice3A_181 : vector<128x1xi32> to vector<128x128xi32>
    %eq3A_183 = arith.cmpi eq, %eq3A_182, %iota3A : vector<128x128xi32>
    %convert_element_type3A_184 = arith.extui %eq3A_183 : vector<128x128xi1> to vector<128x128xi32>
    %convert_element_type3A_185 = arith.sitofp %convert_element_type3A_184 : vector<128x128xi32> to vector<128x128xf32>
    %dot_general3A_186 = arith.constant dense<0.000000e+00> : vector<128x128xf32>
    %dot_general3A_187 = tpu.matmul %convert_element_type3A_185, %max3A_180, %dot_general3A_186 {dimension_numbers = #tpu.dot_dimension_numbers<[0], [0], [1], [1], [0, 1, 1, 1], [], []>, precision = #tpu.contract_precision<fp32>, transpose_lhs_hint = false} : vector<128x128xf32>, vector<128x128xf32>, vector<128x128xf32> -> vector<128x128xf32>
    %add3A_188 = arith.addf %add3A_167, %dot_general3A_187 : vector<128x128xf32>
    %reduce_sum3A_189 = arith.constant dense<0.000000e+00> : vector<128xf32>
    %reduce_sum3A_190 = vector.multi_reduction <add>, %convert_element_type3A_185, %reduce_sum3A_189 [0] : vector<128x128xf32> to vector<128xf32>
    %broadcast_in_dim3A_191 = vector.shape_cast %reduce_sum3A_190 : vector<128xf32> to vector<1x128xf32>
    %add3A_192 = arith.addf %add3A_171, %broadcast_in_dim3A_191 : vector<1x128xf32>
    %swap3A = arith.constant 0 : index
    %swap3A_193 = arith.constant 0 : index
    %swap3A_194 = vector.load %arg11[%swap3A, %swap3A_193] : memref<128x128xf32, #tpu.memory_space<vmem>>, vector<128x128xf32>
    tpu.vector_store %arg11[%swap3A, %swap3A_193], %add3A_188 {strides = array<i32>} : memref<128x128xf32, #tpu.memory_space<vmem>>, vector<128x128xf32>,
    %swap3A_195 = arith.constant 0 : index
    %swap3A_196 = arith.constant 0 : index
    %swap3A_197 = vector.load %arg12[%swap3A_195, %swap3A_196] : memref<1x128xf32, #tpu.memory_space<vmem>>, vector<1x128xf32>
    tpu.vector_store %arg12[%swap3A_195, %swap3A_196], %add3A_192 {strides = array<i32>} : memref<1x128xf32, #tpu.memory_space<vmem>>, vector<1x128xf32>,
    %eq3A_198 = arith.constant 9 : i32
    %eq3A_199 = arith.cmpi eq, %arg0, %eq3A_198 : i32
    %convert_element_type3A_200 = arith.extui %eq3A_199 : i1 to i32
    %cond3A_201 = arith.constant 0 : i32
    %cond3A_202 = arith.cmpi ne, %convert_element_type3A_200, %cond3A_201 : i32
    scf.if %cond3A_202 {
      %get3A_203 = arith.constant 0 : index
      %get3A_204 = arith.constant 0 : index
      %get3A_205 = vector.load %arg12[%get3A_203, %get3A_204] : memref<1x128xf32, #tpu.memory_space<vmem>>, vector<1x128xf32>
      %max3A_206 = arith.constant 1.000000e+00 : f32
      %max3A_207 = vector.broadcast %max3A_206 : f32 to vector<1x128xf32>
      %max3A_208 = arith.maximumf %get3A_205, %max3A_207 : vector<1x128xf32>
      %transpose3A_209 = tpu.transpose %max3A_208, [1, 0] : vector<1x128xf32> -> vector<128x1xf32>
      %get3A_210 = arith.constant 0 : index
      %get3A_211 = arith.constant 0 : index
      %get3A_212 = vector.load %arg11[%get3A_210, %get3A_211] : memref<128x128xf32, #tpu.memory_space<vmem>>, vector<128x128xf32>
      %div3A = vector.broadcast %transpose3A_209 : vector<128x1xf32> to vector<128x128xf32>
      %div3A_213 = arith.divf %get3A_212, %div3A : vector<128x128xf32>
      %get3A_214 = arith.constant 0 : index
      %get3A_215 = arith.constant 0 : index
      %get3A_216 = vector.load %arg6[%get3A_214, %get3A_215] : memref<128x128xf32, #tpu.memory_space<vmem>>, vector<128x128xf32>
      %dot_general3A_217 = arith.constant dense<0.000000e+00> : vector<128x128xf32>
      %dot_general3A_218 = tpu.matmul %div3A_213, %get3A_216, %dot_general3A_217 {dimension_numbers = #tpu.dot_dimension_numbers<[1], [0], [0], [1], [0, 0, 1, 1], [], []>, transpose_lhs_hint = false} : vector<128x128xf32>, vector<128x128xf32>, vector<128x128xf32> -> vector<128x128xf32>
      %get3A_219 = arith.constant 0 : index
      %get3A_220 = arith.constant 0 : index
      %get3A_221 = vector.load %arg7[%get3A_219, %get3A_220] : memref<1x128xf32, #tpu.memory_space<vmem>>, vector<1x128xf32>
      %add3A_222 = vector.broadcast %get3A_221 : vector<1x128xf32> to vector<128x128xf32>
      %add3A_223 = arith.addf %dot_general3A_218, %add3A_222 : vector<128x128xf32>
      %max3A_224 = arith.constant 0.000000e+00 : f32
      %max3A_225 = vector.broadcast %max3A_224 : f32 to vector<128x128xf32>
      %max3A_226 = arith.maximumf %add3A_223, %max3A_225 : vector<128x128xf32>
      %get3A_227 = arith.constant 0 : index
      %get3A_228 = arith.constant 0 : index
      %get3A_229 = vector.load %arg8[%get3A_227, %get3A_228] : memref<128x128xf32, #tpu.memory_space<vmem>>, vector<128x128xf32>
      %dot_general3A_230 = arith.constant dense<0.000000e+00> : vector<128x128xf32>
      %dot_general3A_231 = tpu.matmul %max3A_226, %get3A_229, %dot_general3A_230 {dimension_numbers = #tpu.dot_dimension_numbers<[1], [0], [0], [1], [0, 0, 1, 1], [], []>, transpose_lhs_hint = false} : vector<128x128xf32>, vector<128x128xf32>, vector<128x128xf32> -> vector<128x128xf32>
      %slice3A_232 = vector.extract_strided_slice %dot_general3A_231 {offsets = [0, 0], sizes = [128, 1], strides = [1, 1]} : vector<128x128xf32> to vector<128x1xf32>
      %transpose3A_233 = tpu.transpose %slice3A_232, [1, 0] : vector<128x1xf32> -> vector<1x128xf32>
      %get3A_234 = arith.constant 0 : index
      %get3A_235 = arith.constant 0 : index
      %get3A_236 = vector.load %arg9[%get3A_234, %get3A_235] : memref<1x1xf32, #tpu.memory_space<vmem>>, vector<1x1xf32>
      %get3A_237 = vector.extract %get3A_236[0, 0] : f32 from vector<1x1xf32>
      %add3A_238 = vector.broadcast %get3A_237 : f32 to vector<1x128xf32>
      %add3A_239 = arith.addf %transpose3A_233, %add3A_238 : vector<1x128xf32>
      %swap3A_240 = arith.constant 0 : index
      %swap3A_241 = arith.constant 0 : index
      %swap3A_242 = vector.load %arg10[%swap3A_240, %swap3A_241] : memref<1x128xf32, #tpu.memory_space<vmem>>, vector<1x128xf32>
      tpu.vector_store %arg10[%swap3A_240, %swap3A_241], %add3A_239 {strides = array<i32>} : memref<1x128xf32, #tpu.memory_space<vmem>>, vector<1x128xf32>,
    } else {
    }
    return
  }
  func.func @transform_0(%arg0: i32) -> (i32, i32, i32) {
    %c0_i32 = arith.constant 0 : i32
    %c0_i32_0 = arith.constant 0 : i32
    %c0_i32_1 = arith.constant 0 : i32
    return %c0_i32, %arg0, %c0_i32_0 : i32, i32, i32
  }
  func.func @transform_1(%arg0: i32) -> (i32, i32) {
    %c0_i32 = arith.constant 0 : i32
    %c0_i32_0 = arith.constant 0 : i32
    return %arg0, %c0_i32 : i32, i32
  }
  func.func @transform_2(%arg0: i32) -> (i32, i32) {
    %c0_i32 = arith.constant 0 : i32
    %c0_i32_0 = arith.constant 0 : i32
    return %arg0, %c0_i32 : i32, i32
  }
  func.func @transform_3(%arg0: i32) -> (i32, i32) {
    %c0_i32 = arith.constant 0 : i32
    %c0_i32_0 = arith.constant 0 : i32
    return %arg0, %c0_i32 : i32, i32
  }
  func.func @transform_4(%arg0: i32) -> (i32, i32) {
    %c0_i32 = arith.constant 0 : i32
    %c0_i32_0 = arith.constant 0 : i32
    %c0_i32_1 = arith.constant 0 : i32
    return %c0_i32, %c0_i32_0 : i32, i32
  }
  func.func @transform_5(%arg0: i32) -> (i32, i32) {
    %c0_i32 = arith.constant 0 : i32
    %c0_i32_0 = arith.constant 0 : i32
    %c0_i32_1 = arith.constant 0 : i32
    return %c0_i32, %c0_i32_0 : i32, i32
  }
  func.func @transform_6(%arg0: i32) -> (i32, i32) {
    %c0_i32 = arith.constant 0 : i32
    %c0_i32_0 = arith.constant 0 : i32
    %c0_i32_1 = arith.constant 0 : i32
    return %c0_i32, %c0_i32_0 : i32, i32
  }
  func.func @transform_7(%arg0: i32) -> (i32, i32) {
    %c0_i32 = arith.constant 0 : i32
    %c0_i32_0 = arith.constant 0 : i32
    %c0_i32_1 = arith.constant 0 : i32
    return %c0_i32, %c0_i32_0 : i32, i32
  }
  func.func @transform_8(%arg0: i32) -> (i32, i32) {
    %c0_i32 = arith.constant 0 : i32
    %c0_i32_0 = arith.constant 0 : i32
    %c0_i32_1 = arith.constant 0 : i32
    return %c0_i32, %c0_i32_0 : i32, i32
  }
  func.func @transform_9(%arg0: i32) -> (i32, i32) {
    %c0_i32 = arith.constant 0 : i32
    %c0_i32_0 = arith.constant 0 : i32
    %c0_i32_1 = arith.constant 0 : i32
    return %c0_i32, %c0_i32_0 : i32, i32
  }
}

</mosaic_0001>

<sc_bundles>
// kernel: kernel.6.cloned.1.call-start
scs
__scs_entry_jumppad:
0x0: {  	(pc) =	sbr.rel $0x88, $3  }
0x1: {  	(tag) =	ssettag $0x0;
	lr =	simm.s32 $0x1  }
0x2: {  	[smem:$0x3F98] =	sst lr;
	_ =	strace $0xD0000000  }
0x3: {  	_ = 	snop  }
0x4: {  	_ = 	snop  }
0x5: {  	_ = 	snop  }
0x6: {  	_ = 	snop  }
0x7: {  	_ = 	snop  }
__scs_overlays_trampoline_lowered:
0x8: {  	[smem:$0x3FA7] =	sst s0  }
0x9: {  	[smem:$0x3FA8] =	sst s1  }
0xa: {  	[smem:$0x3FA9] =	sst s2  }
0xb: {  	[smem:$0x3FAA] =	sst s3  }
0xc: {  	[smem:$0x3FAB] =	sst s4  }
0xd: {  	[smem:$0x3FAC] =	sst s5  }
0xe: {  	[smem:$0x3FAD] =	sst s6  }
0xf: {  	[smem:$0x3FAE] =	sst s7  }
0x10: {  	[smem:$0x3FAF] =	sst s8  }
0x11: {  	[smem:$0x3FB0] =	sst s9;
	s0 =	simm.s32 @!p0 $0x0  }
0x12: {  	s1 =	sld [smem:$0x3F96];
	s0 =	simm.s32 @p0 $0x1  }
0x13: {  	[smem:$0x3FB1] =	sst s0;
	s0 =	simm.s32 @!p1 $0x0  }
0x14: {  	s2 =	sld [smem:$0x3F95];
	s0 =	simm.s32 @p1 $0x1  }
0x15: {  	[smem:$0x3FB2] =	sst s0;
	s0 =	simm.s32 @!p2 $0x0  }
0x16: {  	s3 =	sld [smem:$0x3FDB];
	s0 =	simm.s32 @p2 $0x1  }
0x17: {  	s4 =	simm.s32 $0x1BF5;
	[smem:$0x3FB4] =	sst s0  }
0x18: {  	s0 =	sld [smem:$0x3F97];
	_ =	swait.ge [sflag:s4], $0x0  }
0x19: {  	s7 =	sld [smem:$0x3F98]  }
0x1a: {  	s8 =	sadd.s32 $0xFFFFE003, lr  }
0x1b: {  	s9 =	sadd.s32 $0xFFFFFEF7, lr;
	s5 =	simm.s32 $0xFFFFFFFF;
	p2 =	slt.u32 s8, $0xFFFFF086  }
0x1c: {  	p1 =	slt.u32 s9, $0xF7A;
	s5 =	simm.s32 @!p2 $0x0  }
0x1d: {  	s5 =	simm.s32 @p1 $0x1;
	p0 =	seq.s32 s7, s2  }
0x1e: {  	s7 =	smul.u32 @!p0 $0xF7A, s2;
	p2 =	seq.s32 @!p0 s5, $0x0  }
0x1f: {  	s9 =	smul.u32 $0xF7A, s1;
	s8 =	simm.s32 @!p0 $0x1BF5;
	p2 =	por !p2, p0  }
0x20: {  	[sflag:s8] =	ssyncset.s32 @!p0 $0xFFFFF086;
	s6 =	sadd.s32 @!p0 s3, s7;
	s7 =	simm.s32 @!p0 $0x108  }
0x21: {  	s3 =	sadd.s32 s3, s9;
	s6 =	sadd.s32 @!p0 $0x88, s6;
	s7 =	simm.s32 @p2 $0x1082  }
0x22: {  	[simem:s7], [sflag:s8] =	dma.local @!p0 [hbm:s6], $0xF7A  }
0x23: {  	s9 =	sor.u32 $0xD0000000, s2;
	s6 =	simm.s32 $0x108;
	_ =	swait.ge @!p0 [sflag:s8], $0x0  }
0x24: {  	s3 =	sadd.s32 $0x88, s3;
	s6 =	simm.s32 @!p1 $0x1082;
	[sflag:s4] =	ssyncset.s32 $0xFFFFF086  }
0x25: {  	[simem:s6], [sflag:s4] =	dma.local [hbm:s3], $0xF7A  }
0x26: {  	[smem:$0x3F98] =	sst s1;
	(tag) =	ssettag s2;
	_ =	strace s9  }
0x27: {  	s1 =	sld [smem:$0x3FA8]  }
0x28: {  	s2 =	sld [smem:$0x3FA9]  }
0x29: {  	s4 =	sld [smem:$0x3FAB]  }
0x2a: {  	p0 =	seq.s32 s5, $0x0;
	s5 =	sld [smem:$0x3FAC]  }
0x2b: {  	s6 =	sld [smem:$0x3FAD]  }
0x2c: {  	s7 =	sld [smem:$0x3FAE]  }
0x2d: {  	s3 =	simm.s32 $0x108;
	s8 =	sld [smem:$0x3FAF]  }
0x2e: {  	s3 =	simm.s32 @!p0 $0x1082;
	s9 =	sld [smem:$0x3FB0]  }
0x2f: {  	lr =	sadd.s32 s0, s3;
	s0 =	sld [smem:$0x3FA7]  }
0x30: {  	s3 =	sld [smem:$0x3FAA]  }
0x31: {  	[smem:$0x3FB3] =	sst s10  }
0x32: {  	s10 =	sld [smem:$0x3FB1];
	_ =	sdelay $0x3  }
0x33: {  	p0 =	seq.s32 s10, $0x1;
	s10 =	sld [smem:$0x3FB3];
	_ =	sdelay $0x3  }
0x34: {  	[smem:$0x3FB3] =	sst s10  }
0x35: {  	s10 =	sld [smem:$0x3FB2];
	_ =	sdelay $0x3  }
0x36: {  	p1 =	seq.s32 s10, $0x1;
	s10 =	sld [smem:$0x3FB3];
	_ =	sdelay $0x3  }
0x37: {  	[smem:$0x3FB3] =	sst s10  }
0x38: {  	s10 =	sld [smem:$0x3FB4]  }
0x39: {  	_ = 	snop;
	(pc) =	sbr.ind lr, $3  }
0x3a: {  	_ = 	snop  }
0x3b: {  	_ = 	snop  }
0x3c: {  	p2 =	seq.s32 s10, $0x1;
	s10 =	sld [smem:$0x3FB3]  }
0x3d: {  	_ =	shalt  }
0x3e: {  	_ =	shalt  }
0x3f: {  	_ =	shalt  }
0x40: {  	_ =	shalt  }
0x41: {  	_ =	shalt  }
0x42: {  	_ =	shalt  }
0x43: {  	_ =	shalt  }
0x44: {  	_ =	shalt  }
0x45: {  	_ =	shalt  }
0x46: {  	_ =	shalt  }
0x47: {  	_ =	shalt  }
0x48: {  	_ =	shalt  }
0x49: {  	_ =	shalt  }
0x4a: {  	_ =	shalt  }
0x4b: {  	_ =	shalt  }
0x4c: {  	_ =	shalt  }
0x4d: {  	_ =	shalt  }
0x4e: {  	_ =	shalt  }
0x4f: {  	_ =	shalt  }
0x50: {  	_ =	shalt  }
0x51: {  	_ =	shalt  }
0x52: {  	_ =	shalt  }
0x53: {  	_ =	shalt  }
0x54: {  	_ =	shalt  }
0x55: {  	_ =	shalt  }
0x56: {  	_ =	shalt  }
0x57: {  	_ =	shalt  }
0x58: {  	_ =	shalt  }
0x59: {  	_ =	shalt  }
0x5a: {  	_ =	shalt  }
0x5b: {  	_ =	shalt  }
0x5c: {  	_ =	shalt  }
0x5d: {  	_ =	shalt  }
0x5e: {  	_ =	shalt  }
0x5f: {  	_ =	shalt  }
0x60: {  	_ =	shalt  }
0x61: {  	_ =	shalt  }
0x62: {  	_ =	shalt  }
0x63: {  	_ =	shalt  }
0x64: {  	_ =	shalt  }
0x65: {  	_ =	shalt  }
0x66: {  	_ =	shalt  }
0x67: {  	_ =	shalt  }
0x68: {  	_ =	shalt  }
0x69: {  	_ =	shalt  }
0x6a: {  	_ =	shalt  }
0x6b: {  	_ =	shalt  }
0x6c: {  	_ =	shalt  }
0x6d: {  	_ =	shalt  }
0x6e: {  	_ =	shalt  }
0x6f: {  	_ =	shalt  }
0x70: {  	_ =	shalt  }
0x71: {  	_ =	shalt  }
0x72: {  	_ =	shalt  }
0x73: {  	_ =	shalt  }
0x74: {  	_ =	shalt  }
0x75: {  	_ =	shalt  }
0x76: {  	_ =	shalt  }
0x77: {  	_ =	shalt  }
0x78: {  	_ =	shalt  }
0x79: {  	_ =	shalt  }
0x7a: {  	_ =	shalt  }
0x7b: {  	_ =	shalt  }
0x7c: {  	_ =	shalt  }
0x7d: {  	_ =	shalt  }
0x7e: {  	_ =	shalt  }
0x7f: {  	_ =	shalt  }
0x80: {  	_ =	shalt  }
0x81: {  	_ =	shalt  }
0x82: {  	_ =	shalt  }
0x83: {  	_ =	shalt  }
0x84: {  	_ =	shalt  }
0x85: {  	_ =	shalt  }
0x86: {  	_ =	shalt  }
0x87: {  	_ =	shalt  }
.Lfunc_end0:
.L_simem_size_0:
called_computation_lowered:
.L_overlay_start_0:
0x88: {  	s2 =	sld [smem:$0x3FD9]  }
0x89: {  	s3 =	sld [smem:$0x3FFE];
	_ =	sdelay $0x1  }
0x8a: {  	s1 =	srdreg.scid  }
0x8b: {  	s0 =	sand.u32 $0x1, s1  }
0x8c: {  	s16 =	sshll.u32 s0, $0xA;
	s2 =	sadd.s32 s3, s2  }
0x8d: {  	s2 =	sadd.s32 s2, s16  }
0x8e: {  	[smem:$0x3FBF] =	sst s2  }
0x8f: {  	_ = 	snop  }
0x90: {  	(tm) =	ssettm $0x1  }
0x91: {  	s17 =	sld [smem:$0x3FFB];
	_ =	sdelay $0x3  }
0x92: {  	_ =	strace s17  }
0x93: {  	s2 =	sld [smem:$0x3FFC];
	_ =	sdelay $0x3  }
0x94: {  	_ =	strace s2  }
0x95: {  	s2 =	sld [smem:$0x3FFD];
	_ =	sdelay $0x3  }
0x96: {  	_ =	strace s2  }
0x97: {  	_ =	strace $0x8FFFFFFF  }
0x98: {  	s18 =	sld [smem:$0x3FDB];
	_ =	sdelay $0x1  }
0x99: {  	s19 =	simm.s32 $_scs_section_size  }
0x9a: {  	s4 =	simm.s32 $_size__tile_overlayer_lowered;
	s5 =	simm.s32 $_tile_overlayer_lowered  }
0x9b: {  	s22 =	simm.s32 $0x1BFF;
	s21 =	sshll.u32 s5, $0x1;
	s2 =	sadd.s32 s19, s18  }
0x9c: {  	s6 =	simm.s32 $0x0;
	s20 =	sshll.u32 s4, $0x1;
	s4 =	sadd.s32 s21, s2  }
0x9d: {  	[timem:s6], [sflag:s22] =	dma.local [hbm:s4], s20  }
0x9e: {  	_ =	swait.ge [sflag:s22], s20  }
0x9f: {  	s3 =	ssub.s32 $0x0, s20;
	[sflag:s22] =	ssyncset.done $0x0  }
0xa0: {  	[sflag:s22] =	ssyncadd.s32 s3;
	_ =	sdelay $0x1  }
0xa1: {  	s23 =	simm.s32 $0x1B8B  }
0xa2: {  	_ =	swait.ge [sflag:s23], $0x1  }
0xa3: {  	[sflag:s23] =	ssyncset.done $0x0  }
0xa4: {  	s25 =	simm.s32 $0x1B8E;
	s24 =	sld [smem:$0x3FFE];
	[sflag:s23] =	ssyncadd.s32 $0xFFFFFFFF  }
0xa5: {  	s26 =	simm.s32 $execute0_lowered;
	[smem:$0x3FD2] =	sst s25  }
0xa6: {  	s4 =	sshll.u32 s26, $0x1;
	_ =	strace $0x80000046;
	[dreg:$0x1] =	wrdreg $0xFFFFFFFF  }
0xa7: {  	s28 =	simm.s32 $_size_execute0_lowered;
	s2 =	sadd.s32 s2, s4;
	[dreg:$0x0] =	wrdreg $0x0  }
0xa8: {  	s4 =	sshll.u32 s28, $0x1;
	[dreg:$0x2] =	wrdreg s2  }
0xa9: {  	[dreg:$0x3] =	wrdreg s4  }
0xaa: {  	[dreg:$0x4] =	wrdreg $0xC0  }
0xab: {  	_ =	task [dreg:s6], $0x5FFFF  }
0xac: {  	[dreg:$0x1] =	wrdreg $0xFFFFFFFF  }
0xad: {  	[dreg:$0x0] =	wrdreg $0x60  }
0xae: {  	[dreg:$0x2] =	wrdreg s24  }
0xaf: {  	[dreg:$0x3] =	wrdreg $0x9  }
0xb0: {  	_ =	task.clear_ibuf [dreg:s6], $0x4FFFF;
	_ =	strace $0x90000046  }
0xb1: {  	s29 =	simm.s32 $0x9;
	_ =	strace $0x80000048  }
0xb2: {  	_ =	swait.ge [sflag:s29], $0x1  }
0xb3: {  	[sflag:s29] =	ssyncadd.s32 $0xFFFFFFFF  }
0xb4: {  	_ =	strace $0x90000048  }
0xb5: {  	_ =	sfence  }
0xb6: {  	s30 =	sld [smem:$0x0];
	_ =	sdelay $0x2  }
0xb7: {  	s31 =	sshll.u32 s1, $0xD;
	s1 =	sshrl.u32 s1, $0x2  }
0xb8: {  	s3 =	sand.u32 $0x4000, s31;
	s1 =	sadd.s32 s1, s30  }
0xb9: {  	s0 =	sor.u32 s3, s0;
	s1 =	sshll.u32 s1, $0x11  }
0xba: {  	s0 =	sor.u32 s1, s0  }
0xbb: {  	s0 =	sadd.s32 $0x8F2B, s0  }
0xbc: {  	[sflag:s0] =	ssyncadd.remote.s32 $0x1  }
0xbd: {  	_ =	sfence.sel $0xFFFF  }
0xbe: {  	[dreg:$0x0] =	wrdreg $0xFFFFFFFF;
	(pc) =	sbr.abs _section_cstart, $3  }
0xbf: {  	[dreg:$0x1] =	wrdreg $0xFFFFFFFF  }
0xc0: {  	_ =	task.clear_ibuf [dreg:s6], $0x2FFFF;
	_ =	strace $0x9FFFFFFF  }
0xc1: {  	(tm) =	ssettm $0x7FFFFFFF  }
tec
execute0_lowered:
.L_overlay_start_1:
0x0: {  	(tag) =	ssettag $0x1  }
0x1: {  	s1 =	srdreg.scid  }
0x2: {  	s0 =	stileid.u32;
	s5 =	rddreg [dreg:$0x0]  }
0x3: {  	s2 =	simm.s32 $0x0;
	s8 =	simm.s32 $0x80;
	s9 =	simm.s32 $0x400  }
0x4: {  	s10 =	simm.s32 $0x0;
	s3 =	sand.u32 $0x1, s1;
	s29 =	sshll.u32 s0, $0x1  }
0x5: {  	s30 =	sshrl.u32 s0, $0x2;
	s1 =	rddreg [dreg:$0x1];
	s4 =	sor.u32 s3, s29  }
0x6: {  	[smem:$0x7FF] =	sst s2;
	s6 =	smul.u32 $0x14000, s30;
	s7 =	sshll.u32 s4, $0x7  }
0x7: {  	s3 =	ssub.s32 $0x2, s3;
	s4 =	smul.u32 $0x2800, s4;
	s7 =	sand.u32 $0x380, s7  }
0x8: {  	_ =	strace $0x80000047;
	s31 =	sshrl.u32 s3, $0x1;
	s6 =	sor.u32 s6, s7  }
0x9: {  	s4 =	sadd.s32 s4, s5;
	s7 =	simm.s32 $0x14000;
	s6 =	sshrl.u32 s6, $0x3  }
0xa: {  	s5 =	sadd.s32 s6, s5;
	s6 =	ssub.s32 s3, s31;
	s3 =	sadd.s32 $0xC400, s4  }
0xb: {  	v0 =	vimm.f32 $0.0e+00;
	v1 =	vimm.f32 $1.000000000e+00;
	s4 =	sadd.s32 $0x5C400, s5;
	s5 =	smax.u32 s6, $0x1;
	s6 =	simm.s32 $0x1  }
.LBB2_1:
0xc: {  	[tilespmem:s2], [sflag:$0x1] =	stream.linear.gather [hbm4b:s3+s2], $0x14000, $0x38;
	[tilespmem:$0x16800] =	vst v63  }
0xd: {  	_ =	swait.ge [sflag:s6], $0x14000  }
0xe: {  	[sflag:s6] =	ssyncset.done $0x0  }
0xf: {  	s11 =	simm.s32 $0x0;
	[sflag:s6] =	ssyncadd.s32 $0xFFFEC000  }
.LBB2_2:
0x10: {  	p0 =	sne.s32 s11, $0x9FC0  }
.Ltmp0:
0x11: {  	_ = 	snop;
	(pc) =	sbr.rel @p0 .LBB2_2-.Ltmp0, $3  }
0x12: {  	_ =	sdelay $0x1  }
0x13: {  	s12 =	sshra.s32 s11, $0x2  }
0x14: {  	s11 =	sadd.s32 $0x40, s11;
	[tilespmem:s12+$0x14000] =	vst v0  }
0x15: {  	s12 =	simm.s32 $0x0;
	s11 =	simm.s32 $0x200  }
.LBB2_4:
0x16: {  	p0 =	sne.s32 s11, $0x4FE00;
	v2 =	vld [tilespmem:s12+$0x0];
	_ =	sdelay $0x3  }
.Ltmp1:
0x17: {  	(pc) =	sbr.rel @p0 .LBB2_4-.Ltmp1, $2  }
0x18: {  	_ =	sdelay $0x2  }
0x19: {  	s12 =	sshra.s32 s11, $0x2;
	s11 =	sadd.s32 $0x200, s11;
	[tilespmem:v2+s7+$0x0] =	vst.idx.add.f32.msk $0xffff, v1  }
0x1a: {  	v2 =	vld [tilespmem:s12+$0x0];
	_ =	sdelay $0x5  }
0x1b: {  	s10 =	sadd.s32 $0x1, s10  }
0x1c: {  	p0 =	sne.s32 s10, s5  }
.Ltmp2:
0x1d: {  	[tilespmem:v2+s7+$0x0] =	vst.idx.add.f32.msk $0xffff, v1;
	(pc) =	sbr.rel @p0 .LBB2_1-.Ltmp2, $4  }
0x1e: {  	[hbm4b:s4+s8] =	stream.strided.scatter [tilespmem:s7], [sflag:$0x1], $0x2800, s9, s8, $0x38;
	[tilespmem:$0x16800] =	vst v63  }
0x1f: {  	_ =	swait.ge [sflag:s6], $0x2800  }
0x20: {  	[sflag:s6] =	ssyncset.done $0x0  }
0x21: {  	[sflag:s6] =	ssyncadd.s32 $0xFFFFD800  }
0x22: {  	_ =	sfence.sel $0x180000  }
0x23: {  	[bflag:$0x0] =	sbarrier.arrive $0xFFFF  }
0x24: {  	p0 =	sne.s32 s0, $0x0;
	_ =	strace $0x90000047  }
0x25: {  	s0 =	sadd.s32 @!p0 $0x100000, s1;
	[bflag:$0x2] =	sbarrier.arrive $0xFFFF  }
0x26: {  	[sflag:s0] =	ssyncadd.tile.s32 @!p0 $0x1;
	_ =	shalt  }
.Lfunc_end2:
_tile_overlayer_lowered:
.L_overlay_start_2:
0x27: {  	(tag) =	ssettag $0x2  }
0x28: {  	s0 =	rddreg [dreg:$0x0];
	s2 =	stileid.u32  }
0x29: {  	s1 =	rddreg [dreg:$0x1];
	p0 =	sne.s32 s2, $0x0  }
0x2a: {  	s3 =	rddreg [dreg:$0x2];
	[bflag:$0x3] =	sbarrier.arrive $0xFFFF;
	s2 =	simm.s32 @!p0 $0x1C01  }
0x2b: {  	[timem:s3], [sflag:s2] =	dma.local @!p0 [hbm:s0], s1  }
0x2c: {  	s0 =	simm.s32 @!p0 $0x1  }
0x2d: {  	_ =	swait.ge @!p0 [sflag:s0], s1  }
0x2e: {  	s1 =	ssub.s32 @!p0 $0x0, s1;
	[sflag:s0] =	ssyncset.done @!p0 $0x0  }
0x2f: {  	[sflag:s0] =	ssyncadd.s32 @!p0 s1  }
0x30: {  	[bflag:$0x3] =	sbarrier.arrive $0xFFFF  }
0x31: {  	_ =	shalt  }

// kernel: kernel.9.cloned.1.call-start
scs
__scs_entry_jumppad:
0x0: {  	(pc) =	sbr.rel $0x88, $3  }
0x1: {  	(tag) =	ssettag $0x0;
	lr =	simm.s32 $0x1  }
0x2: {  	[smem:$0x3F98] =	sst lr;
	_ =	strace $0xD0000000  }
0x3: {  	_ = 	snop  }
0x4: {  	_ = 	snop  }
0x5: {  	_ = 	snop  }
0x6: {  	_ = 	snop  }
0x7: {  	_ = 	snop  }
__scs_overlays_trampoline_lowered:
0x8: {  	[smem:$0x3FA7] =	sst s0  }
0x9: {  	[smem:$0x3FA8] =	sst s1  }
0xa: {  	[smem:$0x3FA9] =	sst s2  }
0xb: {  	[smem:$0x3FAA] =	sst s3  }
0xc: {  	[smem:$0x3FAB] =	sst s4  }
0xd: {  	[smem:$0x3FAC] =	sst s5  }
0xe: {  	[smem:$0x3FAD] =	sst s6  }
0xf: {  	[smem:$0x3FAE] =	sst s7  }
0x10: {  	[smem:$0x3FAF] =	sst s8  }
0x11: {  	[smem:$0x3FB0] =	sst s9;
	s0 =	simm.s32 @!p0 $0x0  }
0x12: {  	s1 =	sld [smem:$0x3F96];
	s0 =	simm.s32 @p0 $0x1  }
0x13: {  	[smem:$0x3FB1] =	sst s0;
	s0 =	simm.s32 @!p1 $0x0  }
0x14: {  	s2 =	sld [smem:$0x3F95];
	s0 =	simm.s32 @p1 $0x1  }
0x15: {  	[smem:$0x3FB2] =	sst s0;
	s0 =	simm.s32 @!p2 $0x0  }
0x16: {  	s3 =	sld [smem:$0x3FDB];
	s0 =	simm.s32 @p2 $0x1  }
0x17: {  	s4 =	simm.s32 $0x1BF5;
	[smem:$0x3FB4] =	sst s0  }
0x18: {  	s0 =	sld [smem:$0x3F97];
	_ =	swait.ge [sflag:s4], $0x0  }
0x19: {  	s7 =	sld [smem:$0x3F98]  }
0x1a: {  	s8 =	sadd.s32 $0xFFFFE003, lr  }
0x1b: {  	s9 =	sadd.s32 $0xFFFFFEF7, lr;
	s5 =	simm.s32 $0xFFFFFFFF;
	p2 =	slt.u32 s8, $0xFFFFF086  }
0x1c: {  	p1 =	slt.u32 s9, $0xF7A;
	s5 =	simm.s32 @!p2 $0x0  }
0x1d: {  	s5 =	simm.s32 @p1 $0x1;
	p0 =	seq.s32 s7, s2  }
0x1e: {  	s7 =	smul.u32 @!p0 $0xF7A, s2;
	p2 =	seq.s32 @!p0 s5, $0x0  }
0x1f: {  	s9 =	smul.u32 $0xF7A, s1;
	s8 =	simm.s32 @!p0 $0x1BF5;
	p2 =	por !p2, p0  }
0x20: {  	[sflag:s8] =	ssyncset.s32 @!p0 $0xFFFFF086;
	s6 =	sadd.s32 @!p0 s3, s7;
	s7 =	simm.s32 @!p0 $0x108  }
0x21: {  	s3 =	sadd.s32 s3, s9;
	s6 =	sadd.s32 @!p0 $0x88, s6;
	s7 =	simm.s32 @p2 $0x1082  }
0x22: {  	[simem:s7], [sflag:s8] =	dma.local @!p0 [hbm:s6], $0xF7A  }
0x23: {  	s9 =	sor.u32 $0xD0000000, s2;
	s6 =	simm.s32 $0x108;
	_ =	swait.ge @!p0 [sflag:s8], $0x0  }
0x24: {  	s3 =	sadd.s32 $0x88, s3;
	s6 =	simm.s32 @!p1 $0x1082;
	[sflag:s4] =	ssyncset.s32 $0xFFFFF086  }
0x25: {  	[simem:s6], [sflag:s4] =	dma.local [hbm:s3], $0xF7A  }
0x26: {  	[smem:$0x3F98] =	sst s1;
	(tag) =	ssettag s2;
	_ =	strace s9  }
0x27: {  	s1 =	sld [smem:$0x3FA8]  }
0x28: {  	s2 =	sld [smem:$0x3FA9]  }
0x29: {  	s4 =	sld [smem:$0x3FAB]  }
0x2a: {  	p0 =	seq.s32 s5, $0x0;
	s5 =	sld [smem:$0x3FAC]  }
0x2b: {  	s6 =	sld [smem:$0x3FAD]  }
0x2c: {  	s7 =	sld [smem:$0x3FAE]  }
0x2d: {  	s3 =	simm.s32 $0x108;
	s8 =	sld [smem:$0x3FAF]  }
0x2e: {  	s3 =	simm.s32 @!p0 $0x1082;
	s9 =	sld [smem:$0x3FB0]  }
0x2f: {  	lr =	sadd.s32 s0, s3;
	s0 =	sld [smem:$0x3FA7]  }
0x30: {  	s3 =	sld [smem:$0x3FAA]  }
0x31: {  	[smem:$0x3FB3] =	sst s10  }
0x32: {  	s10 =	sld [smem:$0x3FB1];
	_ =	sdelay $0x3  }
0x33: {  	p0 =	seq.s32 s10, $0x1;
	s10 =	sld [smem:$0x3FB3];
	_ =	sdelay $0x3  }
0x34: {  	[smem:$0x3FB3] =	sst s10  }
0x35: {  	s10 =	sld [smem:$0x3FB2];
	_ =	sdelay $0x3  }
0x36: {  	p1 =	seq.s32 s10, $0x1;
	s10 =	sld [smem:$0x3FB3];
	_ =	sdelay $0x3  }
0x37: {  	[smem:$0x3FB3] =	sst s10  }
0x38: {  	s10 =	sld [smem:$0x3FB4]  }
0x39: {  	_ = 	snop;
	(pc) =	sbr.ind lr, $3  }
0x3a: {  	_ = 	snop  }
0x3b: {  	_ = 	snop  }
0x3c: {  	p2 =	seq.s32 s10, $0x1;
	s10 =	sld [smem:$0x3FB3]  }
0x3d: {  	_ =	shalt  }
0x3e: {  	_ =	shalt  }
0x3f: {  	_ =	shalt  }
0x40: {  	_ =	shalt  }
0x41: {  	_ =	shalt  }
0x42: {  	_ =	shalt  }
0x43: {  	_ =	shalt  }
0x44: {  	_ =	shalt  }
0x45: {  	_ =	shalt  }
0x46: {  	_ =	shalt  }
0x47: {  	_ =	shalt  }
0x48: {  	_ =	shalt  }
0x49: {  	_ =	shalt  }
0x4a: {  	_ =	shalt  }
0x4b: {  	_ =	shalt  }
0x4c: {  	_ =	shalt  }
0x4d: {  	_ =	shalt  }
0x4e: {  	_ =	shalt  }
0x4f: {  	_ =	shalt  }
0x50: {  	_ =	shalt  }
0x51: {  	_ =	shalt  }
0x52: {  	_ =	shalt  }
0x53: {  	_ =	shalt  }
0x54: {  	_ =	shalt  }
0x55: {  	_ =	shalt  }
0x56: {  	_ =	shalt  }
0x57: {  	_ =	shalt  }
0x58: {  	_ =	shalt  }
0x59: {  	_ =	shalt  }
0x5a: {  	_ =	shalt  }
0x5b: {  	_ =	shalt  }
0x5c: {  	_ =	shalt  }
0x5d: {  	_ =	shalt  }
0x5e: {  	_ =	shalt  }
0x5f: {  	_ =	shalt  }
0x60: {  	_ =	shalt  }
0x61: {  	_ =	shalt  }
0x62: {  	_ =	shalt  }
0x63: {  	_ =	shalt  }
0x64: {  	_ =	shalt  }
0x65: {  	_ =	shalt  }
0x66: {  	_ =	shalt  }
0x67: {  	_ =	shalt  }
0x68: {  	_ =	shalt  }
0x69: {  	_ =	shalt  }
0x6a: {  	_ =	shalt  }
0x6b: {  	_ =	shalt  }
0x6c: {  	_ =	shalt  }
0x6d: {  	_ =	shalt  }
0x6e: {  	_ =	shalt  }
0x6f: {  	_ =	shalt  }
0x70: {  	_ =	shalt  }
0x71: {  	_ =	shalt  }
0x72: {  	_ =	shalt  }
0x73: {  	_ =	shalt  }
0x74: {  	_ =	shalt  }
0x75: {  	_ =	shalt  }
0x76: {  	_ =	shalt  }
0x77: {  	_ =	shalt  }
0x78: {  	_ =	shalt  }
0x79: {  	_ =	shalt  }
0x7a: {  	_ =	shalt  }
0x7b: {  	_ =	shalt  }
0x7c: {  	_ =	shalt  }
0x7d: {  	_ =	shalt  }
0x7e: {  	_ =	shalt  }
0x7f: {  	_ =	shalt  }
0x80: {  	_ =	shalt  }
0x81: {  	_ =	shalt  }
0x82: {  	_ =	shalt  }
0x83: {  	_ =	shalt  }
0x84: {  	_ =	shalt  }
0x85: {  	_ =	shalt  }
0x86: {  	_ =	shalt  }
0x87: {  	_ =	shalt  }
.Lfunc_end0:
.L_simem_size_0:
called_computation.1_lowered:
.L_overlay_start_0:
0x88: {  	s2 =	sld [smem:$0x3FD9]  }
0x89: {  	s3 =	sld [smem:$0x3FFE];
	_ =	sdelay $0x1  }
0x8a: {  	s1 =	srdreg.scid  }
0x8b: {  	s0 =	sand.u32 $0x1, s1  }
0x8c: {  	s16 =	sshll.u32 s0, $0xA;
	s2 =	sadd.s32 s3, s2  }
0x8d: {  	s2 =	sadd.s32 s2, s16  }
0x8e: {  	[smem:$0x3FBF] =	sst s2  }
0x8f: {  	_ = 	snop  }
0x90: {  	(tm) =	ssettm $0x1  }
0x91: {  	s17 =	sld [smem:$0x3FFB];
	_ =	sdelay $0x3  }
0x92: {  	_ =	strace s17  }
0x93: {  	s2 =	sld [smem:$0x3FFC];
	_ =	sdelay $0x3  }
0x94: {  	_ =	strace s2  }
0x95: {  	s2 =	sld [smem:$0x3FFD];
	_ =	sdelay $0x3  }
0x96: {  	_ =	strace s2  }
0x97: {  	_ =	strace $0x8FFFFFFF  }
0x98: {  	s18 =	sld [smem:$0x3FDB];
	_ =	sdelay $0x1  }
0x99: {  	s19 =	simm.s32 $_scs_section_size  }
0x9a: {  	s4 =	simm.s32 $_size__tile_overlayer_lowered;
	s5 =	simm.s32 $_tile_overlayer_lowered  }
0x9b: {  	s22 =	simm.s32 $0x1BFF;
	s21 =	sshll.u32 s5, $0x1;
	s2 =	sadd.s32 s19, s18  }
0x9c: {  	s6 =	simm.s32 $0x0;
	s20 =	sshll.u32 s4, $0x1;
	s4 =	sadd.s32 s21, s2  }
0x9d: {  	[timem:s6], [sflag:s22] =	dma.local [hbm:s4], s20  }
0x9e: {  	_ =	swait.ge [sflag:s22], s20  }
0x9f: {  	s3 =	ssub.s32 $0x0, s20;
	[sflag:s22] =	ssyncset.done $0x0  }
0xa0: {  	[sflag:s22] =	ssyncadd.s32 s3;
	_ =	sdelay $0x1  }
0xa1: {  	s23 =	simm.s32 $0x1B8B  }
0xa2: {  	_ =	swait.ge [sflag:s23], $0x1  }
0xa3: {  	[sflag:s23] =	ssyncset.done $0x0  }
0xa4: {  	s25 =	simm.s32 $0x1B8E;
	s24 =	sld [smem:$0x3FFE];
	[sflag:s23] =	ssyncadd.s32 $0xFFFFFFFF  }
0xa5: {  	s26 =	simm.s32 $execute0_lowered;
	[smem:$0x3FD2] =	sst s25  }
0xa6: {  	s4 =	sshll.u32 s26, $0x1;
	_ =	strace $0x80000049;
	[dreg:$0x1] =	wrdreg $0xFFFFFFFF  }
0xa7: {  	s28 =	simm.s32 $_size_execute0_lowered;
	s2 =	sadd.s32 s2, s4;
	[dreg:$0x0] =	wrdreg $0x0  }
0xa8: {  	s4 =	sshll.u32 s28, $0x1;
	[dreg:$0x2] =	wrdreg s2  }
0xa9: {  	[dreg:$0x3] =	wrdreg s4  }
0xaa: {  	[dreg:$0x4] =	wrdreg $0xC0  }
0xab: {  	_ =	task [dreg:s6], $0x5FFFF  }
0xac: {  	[dreg:$0x1] =	wrdreg $0xFFFFFFFF  }
0xad: {  	[dreg:$0x0] =	wrdreg $0x60  }
0xae: {  	[dreg:$0x2] =	wrdreg s24  }
0xaf: {  	[dreg:$0x3] =	wrdreg $0x90000  }
0xb0: {  	[dreg:$0x4] =	wrdreg $0x9  }
0xb1: {  	_ =	task.clear_ibuf [dreg:s6], $0x5FFFF;
	_ =	strace $0x90000049  }
0xb2: {  	s29 =	simm.s32 $0x9;
	_ =	strace $0x8000004B  }
0xb3: {  	_ =	swait.ge [sflag:s29], $0x1  }
0xb4: {  	[sflag:s29] =	ssyncadd.s32 $0xFFFFFFFF  }
0xb5: {  	_ =	strace $0x9000004B  }
0xb6: {  	_ =	sfence  }
0xb7: {  	s30 =	sld [smem:$0x0];
	_ =	sdelay $0x2  }
0xb8: {  	s31 =	sshll.u32 s1, $0xD;
	s1 =	sshrl.u32 s1, $0x2  }
0xb9: {  	s3 =	sand.u32 $0x4000, s31;
	s1 =	sadd.s32 s1, s30  }
0xba: {  	s0 =	sor.u32 s3, s0;
	s1 =	sshll.u32 s1, $0x11  }
0xbb: {  	s0 =	sor.u32 s1, s0  }
0xbc: {  	s0 =	sadd.s32 $0x8F2B, s0  }
0xbd: {  	[sflag:s0] =	ssyncadd.remote.s32 $0x1  }
0xbe: {  	_ =	sfence.sel $0xFFFF  }
0xbf: {  	[dreg:$0x0] =	wrdreg $0xFFFFFFFF;
	(pc) =	sbr.abs _section_cstart, $3  }
0xc0: {  	[dreg:$0x1] =	wrdreg $0xFFFFFFFF  }
0xc1: {  	_ =	task.clear_ibuf [dreg:s6], $0x2FFFF;
	_ =	strace $0x9FFFFFFF  }
0xc2: {  	(tm) =	ssettm $0x7FFFFFFF  }
0xc3: {  	_ =	shalt  }
tec
execute0_lowered:
.L_overlay_start_1:
0x0: {  	(tag) =	ssettag $0x1  }
0x1: {  	s5 =	rddreg [dreg:$0x0];
	s1 =	srdreg.scid  }
0x2: {  	s0 =	stileid.u32;
	s2 =	rddreg [dreg:$0x1]  }
0x3: {  	s3 =	simm.s32 $0x0;
	s21 =	simm.s32 $0x80;
	s22 =	simm.s32 $0x1  }
0x4: {  	s23 =	simm.s32 $0x0;
	s8 =	sand.u32 $0x1, s1;
	s1 =	rddreg [dreg:$0x2]  }
0x5: {  	s4 =	sshll.u32 s0, $0x1;
	[smem:$0x7FF] =	sst s3;
	s9 =	smul.u32 $0x50000, s0  }
0x6: {  	s16 =	sadd.s32 $0x70400, s5;
	s11 =	smul.u32 $0x14000, s0;
	s4 =	sor.u32 s8, s4  }
0x7: {  	_ =	strace $0x8000004A;
	s7 =	ssub.s32 $0x2, s8;
	s18 =	smul.u32 $0x140000, s8  }
0x8: {  	s6 =	smul.u32 $0x500, s4;
	s4 =	sadd.s32 $0xC400, s5;
	s30 =	sshrl.u32 s7, $0x1  }
0x9: {  	s31 =	sshrl.u32 s9, $0x2;
	s12 =	sadd.s32 $0x4000, s11;
	s14 =	sadd.s32 $0x8000, s11  }
0xa: {  	s15 =	sadd.s32 $0xC000, s11;
	s19 =	sadd.s32 $0x10000, s11;
	s17 =	ssub.s32 s7, s30  }
0xb: {  	s7 =	sadd.s32 s31, s2;
	s8 =	sadd.s32 s12, s2;
	s9 =	sadd.s32 s14, s2  }
0xc: {  	s10 =	sadd.s32 s15, s2;
	s13 =	sadd.s32 s11, s18;
	s12 =	sadd.s32 s18, s12  }
0xd: {  	s11 =	sadd.s32 s19, s2;
	s14 =	sadd.s32 s18, s14;
	s15 =	sadd.s32 s18, s15  }
0xe: {  	s18 =	sadd.s32 s18, s19;
	s19 =	simm.s32 $0x2800;
	s6 =	sadd.s32 s6, s5  }
0xf: {  	s13 =	sshrl.u32 s13, $0x3;
	s20 =	sshrl.u32 s12, $0x3;
	s14 =	sshrl.u32 s14, $0x3  }
0x10: {  	s15 =	sshrl.u32 s15, $0x3;
	s18 =	sshrl.u32 s18, $0x3;
	s17 =	smax.u32 s17, $0x1  }
0x11: {  	s5 =	sadd.s32 $0x66400, s6;
	s6 =	sadd.s32 $0x2400, s6;
	s12 =	sadd.s32 s16, s13  }
0x12: {  	s13 =	sadd.s32 s16, s20;
	s14 =	sadd.s32 s16, s14;
	s15 =	sadd.s32 s16, s15  }
0x13: {  	v0 =	vimm.f32 $0.0e+00;
	s16 =	sadd.s32 s16, s18;
	s18 =	simm.s32 $0x2;
	s20 =	simm.s32 $0x5000  }
.LBB2_1:
0x14: {  	[tilespmem:s3], [sflag:$0x2] =	stream.linear.gather [hbm4b:s5+s3], $0x2800, $0x38;
	[tilespmem:$0x1D000] =	vst v63  }
0x15: {  	_ =	swait.ge [sflag:s18], $0x2800  }
0x16: {  	[sflag:s18] =	ssyncset.done $0x0  }
0x17: {  	[sflag:s18] =	ssyncadd.s32 $0xFFFFD800  }
0x18: {  	[tilespmem:s19], [sflag:$0x2] =	stream.linear.gather [hbm4b:s6+s3], $0x2800, $0x38;
	[tilespmem:$0x1D000] =	vst v63  }
0x19: {  	_ =	swait.ge [sflag:s18], $0x2800  }
0x1a: {  	[sflag:s18] =	ssyncset.done $0x0  }
0x1b: {  	s24 =	simm.s32 $0x0;
	s25 =	simm.s32 $0x200;
	[sflag:s18] =	ssyncadd.s32 $0xFFFFD800  }
.LBB2_2:
0x1c: {  	p0 =	sne.s32 s25, $0xFE00;
	[tilespmem:s24+$0x5070] =	vst v0  }
0x1d: {  	[tilespmem:s24+$0x5000] =	vst v0  }
0x1e: {  	[tilespmem:s24+$0x5010] =	vst v0  }
.Ltmp0:
0x1f: {  	[tilespmem:s24+$0x5020] =	vst v0;
	(pc) =	sbr.rel @p0 .LBB2_2-.Ltmp0, $4  }
0x20: {  	[tilespmem:s24+$0x5030] =	vst v0  }
0x21: {  	[tilespmem:s24+$0x5040] =	vst v0  }
0x22: {  	[tilespmem:s24+$0x5050] =	vst v0  }
0x23: {  	[tilespmem:s24+$0x5060] =	vst v0;
	s24 =	sshra.s32 s25, $0x2;
	s25 =	sadd.s32 $0x200, s25  }
0x24: {  	[tilespmem:s24+$0x5070] =	vst v0  }
0x25: {  	[tilespmem:s24+$0x5000] =	vst v0  }
0x26: {  	[tilespmem:s24+$0x5010] =	vst v0  }
0x27: {  	[tilespmem:s24+$0x5020] =	vst v0  }
0x28: {  	[tilespmem:s24+$0x5030] =	vst v0  }
0x29: {  	[tilespmem:s24+$0x5040] =	vst v0  }
0x2a: {  	[tilespmem:s24+$0x5050] =	vst v0  }
0x2b: {  	[tilespmem:s24+$0x5060] =	vst v0  }
0x2c: {  	[spmem:s7] =	stream.linear.scatter [tilespmem:s20], [sflag:$0x2], $0x4000, $0x38;
	[tilespmem:$0x1D000] =	vst v63  }
0x2d: {  	_ =	swait.ge [sflag:s18], $0x4000  }
0x2e: {  	[sflag:s18] =	ssyncset.done $0x0  }
0x2f: {  	[sflag:s18] =	ssyncadd.s32 $0xFFFFC000  }
0x30: {  	[spmem:s8] =	stream.linear.scatter [tilespmem:s20], [sflag:$0x2], $0x4000, $0x38;
	[tilespmem:$0x1D000] =	vst v63  }
0x31: {  	_ =	swait.ge [sflag:s18], $0x4000  }
0x32: {  	[sflag:s18] =	ssyncset.done $0x0  }
0x33: {  	[sflag:s18] =	ssyncadd.s32 $0xFFFFC000  }
0x34: {  	[spmem:s9] =	stream.linear.scatter [tilespmem:s20], [sflag:$0x2], $0x4000, $0x38;
	[tilespmem:$0x1D000] =	vst v63  }
0x35: {  	_ =	swait.ge [sflag:s18], $0x4000  }
0x36: {  	[sflag:s18] =	ssyncset.done $0x0  }
0x37: {  	[sflag:s18] =	ssyncadd.s32 $0xFFFFC000  }
0x38: {  	[spmem:s10] =	stream.linear.scatter [tilespmem:s20], [sflag:$0x2], $0x4000, $0x38;
	[tilespmem:$0x1D000] =	vst v63  }
0x39: {  	_ =	swait.ge [sflag:s18], $0x4000  }
0x3a: {  	[sflag:s18] =	ssyncset.done $0x0  }
0x3b: {  	[sflag:s18] =	ssyncadd.s32 $0xFFFFC000  }
0x3c: {  	[spmem:s11] =	stream.linear.scatter [tilespmem:s20], [sflag:$0x2], $0x4000, $0x38;
	[tilespmem:$0x1D000] =	vst v63  }
0x3d: {  	_ =	swait.ge [sflag:s18], $0x4000  }
0x3e: {  	[sflag:s18] =	ssyncset.done $0x0  }
0x3f: {  	[sflag:s18] =	ssyncadd.s32 $0xFFFFC000  }
0x40: {  	s30 =	simm.s32 $0x0;
	[bflag:$0x0] =	sbarrier.arrive $0xFFFF  }
0x41: {  	[tilespmem:s20], [sflag:$0x1] =	stream.indirect.gather [hbm4b:s4+s21], $0x80, s30, s21, $0xb8;
	[tilespmem:$0x1D000] =	vst v63  }
0x42: {  	_ =	swait.ge [sflag:s22], $0x4000  }
0x43: {  	[sflag:s22] =	ssyncset.done $0x0  }
0x44: {  	s31 =	simm.s32 $0x2800;
	[sflag:s22] =	ssyncadd.s32 $0xFFFFC000  }
0x45: {  	[spmem:s2] =	stream.indirect.scatter.add.f32 [tilespmem:s20], [sflag:$0x2], $0x80, s31, s21, $0xb8;
	[tilespmem:$0x1D000] =	vst v63  }
0x46: {  	_ =	swait.ge [sflag:s18], $0x4000  }
0x47: {  	s24 =	simm.s32 $0x200;
	s25 =	simm.s32 $0x400;
	[sflag:s18] =	ssyncset.done $0x0  }
.LBB2_4:
0x48: {  	s26 =	sshra.s32 s24, $0x2  }
0x49: {  	[sflag:s18] =	ssyncadd.s32 $0xFFFFC000;
	s24 =	smov.u32 s25;
	s28 =	sadd.s32 $0x200, s25  }
0x4a: {  	[tilespmem:s20], [sflag:$0x1] =	stream.indirect.gather [hbm4b:s4+s21], $0x80, s26, s21, $0xb8;
	[tilespmem:$0x1D000] =	vst v63  }
0x4b: {  	p0 =	sne.s32 s25, $0x9E00;
	_ =	swait.ge [sflag:s22], $0x4000  }
.Ltmp1:
0x4c: {  	[sflag:s22] =	ssyncset.done $0x0;
	(pc) =	sbr.rel @p0 .LBB2_4-.Ltmp1, $4  }
0x4d: {  	s25 =	sadd.s32 $0x2800, s26;
	[sflag:s22] =	ssyncadd.s32 $0xFFFFC000  }
0x4e: {  	[spmem:s2] =	stream.indirect.scatter.add.f32 [tilespmem:s20], [sflag:$0x2], $0x80, s25, s21, $0xb8;
	[tilespmem:$0x1D000] =	vst v63  }
0x4f: {  	_ =	swait.ge [sflag:s18], $0x4000  }
0x50: {  	s25 =	smov.u32 s28;
	[sflag:s18] =	ssyncset.done $0x0  }
0x51: {  	s24 =	sshra.s32 s24, $0x2;
	[sflag:s18] =	ssyncadd.s32 $0xFFFFC000  }
0x52: {  	[tilespmem:s20], [sflag:$0x1] =	stream.indirect.gather [hbm4b:s4+s21], $0x80, s24, s21, $0xb8;
	[tilespmem:$0x1D000] =	vst v63  }
0x53: {  	_ =	swait.ge [sflag:s22], $0x4000  }
0x54: {  	[sflag:s22] =	ssyncset.done $0x0  }
0x55: {  	s24 =	sadd.s32 $0x2800, s24;
	[sflag:s22] =	ssyncadd.s32 $0xFFFFC000  }
0x56: {  	[spmem:s2] =	stream.indirect.scatter.add.f32 [tilespmem:s20], [sflag:$0x2], $0x80, s24, s21, $0xb8;
	[tilespmem:$0x1D000] =	vst v63  }
0x57: {  	_ =	swait.ge [sflag:s18], $0x4000  }
0x58: {  	[sflag:s18] =	ssyncset.done $0x0  }
0x59: {  	s26 =	sshll.u32 s0, $0x6;
	[sflag:s18] =	ssyncadd.s32 $0xFFFFC000  }
0x5a: {  	s25 =	sshrl.u32 s7, $0x3;
	s24 =	sor.u32 $0x1C02, s26;
	[bflag:$0x0] =	sbarrier.arrive $0xFFFF  }
0x5b: {  	[hbm:s12], [sflag:s24] =	dma.local [spmem:s25], $0x800  }
0x5c: {  	_ =	swait.ge [sflag:s18], $0x800  }
0x5d: {  	[sflag:s18] =	ssyncset.done $0x0  }
0x5e: {  	s28 =	sshrl.u32 s8, $0x3;
	[sflag:s18] =	ssyncadd.s32 $0xFFFFF800  }
0x5f: {  	[hbm:s13], [sflag:s24] =	dma.local [spmem:s28], $0x800  }
0x60: {  	_ =	swait.ge [sflag:s18], $0x800  }
0x61: {  	[sflag:s18] =	ssyncset.done $0x0  }
0x62: {  	s29 =	sshrl.u32 s9, $0x3;
	[sflag:s18] =	ssyncadd.s32 $0xFFFFF800  }
0x63: {  	[hbm:s14], [sflag:s24] =	dma.local [spmem:s29], $0x800  }
0x64: {  	_ =	swait.ge [sflag:s18], $0x800  }
0x65: {  	[sflag:s18] =	ssyncset.done $0x0  }
0x66: {  	s30 =	sshrl.u32 s10, $0x3;
	[sflag:s18] =	ssyncadd.s32 $0xFFFFF800  }
0x67: {  	[hbm:s15], [sflag:s24] =	dma.local [spmem:s30], $0x800  }
0x68: {  	s23 =	sadd.s32 $0x1, s23;
	_ =	swait.ge [sflag:s18], $0x800  }
0x69: {  	p0 =	sne.s32 s23, s17;
	[sflag:s18] =	ssyncset.done $0x0  }
.Ltmp2:
0x6a: {  	s31 =	sshrl.u32 s11, $0x3;
	[sflag:s18] =	ssyncadd.s32 $0xFFFFF800;
	(pc) =	sbr.rel @p0 .LBB2_1-.Ltmp2, $4  }
0x6b: {  	[hbm:s16], [sflag:s24] =	dma.local [spmem:s31], $0x800  }
0x6c: {  	_ =	swait.ge [sflag:s18], $0x800  }
0x6d: {  	[sflag:s18] =	ssyncset.done $0x0  }
0x6e: {  	[sflag:s18] =	ssyncadd.s32 $0xFFFFF800  }
0x6f: {  	_ =	sfence.sel $0x180000  }
0x70: {  	[bflag:$0x0] =	sbarrier.arrive $0xFFFF  }
0x71: {  	p0 =	sne.s32 s0, $0x0;
	_ =	strace $0x9000004A  }
0x72: {  	s0 =	sadd.s32 @!p0 $0x100000, s1;
	[bflag:$0x2] =	sbarrier.arrive $0xFFFF  }
0x73: {  	[sflag:s0] =	ssyncadd.tile.s32 @!p0 $0x1;
	_ =	shalt  }
.Lfunc_end2:
_tile_overlayer_lowered:
.L_overlay_start_2:
0x74: {  	(tag) =	ssettag $0x2  }
0x75: {  	s0 =	rddreg [dreg:$0x0];
	s2 =	stileid.u32  }
0x76: {  	s1 =	rddreg [dreg:$0x1];
	p0 =	sne.s32 s2, $0x0  }
0x77: {  	s3 =	rddreg [dreg:$0x2];
	[bflag:$0x3] =	sbarrier.arrive $0xFFFF;
	s2 =	simm.s32 @!p0 $0x1C02  }
0x78: {  	[timem:s3], [sflag:s2] =	dma.local @!p0 [hbm:s0], s1  }
0x79: {  	s0 =	simm.s32 @!p0 $0x2  }
0x7a: {  	_ =	swait.ge @!p0 [sflag:s0], s1  }
0x7b: {  	s1 =	ssub.s32 @!p0 $0x0, s1;
	[sflag:s0] =	ssyncset.done @!p0 $0x0  }
0x7c: {  	[sflag:s0] =	ssyncadd.s32 @!p0 s1  }
0x7d: {  	[bflag:$0x3] =	sbarrier.arrive $0xFFFF  }
0x7e: {  	_ =	shalt  }

</sc_bundles>
